<compile_context>
chip_gen: v7x
topology: tpu7x:2x2x1
jax: 0.10.2.dev20260603
libtpu: 0.0.44.dev20260713+nightly
codegen_flags: <defaults>
</compile_context>

<pallas_src>
import functools

import jax
import jax.numpy as jnp
from jax import lax
from jax.experimental import pallas as pl
from jax.experimental.pallas import tpu as pltpu
from jax.experimental.pallas import tpu_sc as plsc

N = 384
EPN = N - 1
NWORKERS = 32
RPT = N // NWORKERS
L = 16
NCHUNK = N // L
H = 512
_SQRT_MAGIC = 0x1FBD1DF5


def _sc_edge_weights(px, py, recv_flat):
    mesh = plsc.VectorSubcoreMesh(core_axis_name="c", subcore_axis_name="s")

    @functools.partial(
        pl.kernel,
        out_type=jax.ShapeDtypeStruct((N * N,), jnp.float32),
        mesh=mesh,
        compiler_params=pltpu.CompilerParams(needs_layout_passes=False),
        scratch_types=[
            pltpu.VMEM((N,), jnp.float32),
            pltpu.VMEM((N,), jnp.float32),
            pltpu.VMEM((RPT * N,), jnp.int32),
            pltpu.VMEM((RPT * N,), jnp.float32),
        ],
    )
    def edge_w(px_hbm, py_hbm, recv_hbm, out_hbm, px_v, py_v, recv_v, a_v):
        wid = lax.axis_index("s") * 2 + lax.axis_index("c")
        base = wid * RPT
        pltpu.sync_copy(px_hbm, px_v)
        pltpu.sync_copy(py_hbm, py_v)
        pltpu.sync_copy(recv_hbm.at[pl.ds(base * N, RPT * N)], recv_v)

        lanes = lax.iota(jnp.int32, L)
        pnx, pny = [], []
        for j in range(RPT):
            nidx = jnp.full((L,), base + j, dtype=jnp.int32)
            pnx.append(plsc.load_gather(px_v, [nidx]))
            pny.append(plsc.load_gather(py_v, [nidx]))

        def body(k, carry):
            off = k * L
            valid = (lanes + off) < EPN
            for j in range(RPT):
                idx = recv_v[pl.ds(j * N + off, L)]
                rx = plsc.load_gather(px_v, [idx])
                ry = plsc.load_gather(py_v, [idx])
                dx = (pnx[j] - rx + 1.0) % 2.0 - 1.0
                dy = (pny[j] - ry + 1.0) % 2.0 - 1.0
                q = dx * dx + dy * dy
                y = plsc.bitcast(
                    (plsc.bitcast(q, jnp.int32) >> 1) + _SQRT_MAGIC,
                    jnp.float32)
                y = 0.5 * (y + q / y)
                y = 0.5 * (y + q / y)
                y = 0.5 * (y + q / y)
                a = jnp.exp(-2.0 * y)
                a_v[pl.ds(j * N + off, L)] = jnp.where(valid, a, 0.0)
            return carry

        lax.fori_loop(0, NCHUNK, body, 0)
        pltpu.sync_copy(a_v, out_hbm.at[pl.ds(base * N, RPT * N)])

    return edge_w(px, py, recv_flat)


def _tc_edge_mlp(a_t, W1, b1, W2, b2):

    def body(at_ref, w1_ref, b1_ref, w2_ref, b2_ref, o_ref):
        del b1_ref
        def rnd(z):
            zi = lax.bitcast_convert_type(z, jnp.int32)
            zr = (zi + 0x8000) & ~0xFFFF
            return lax.bitcast_convert_type(zr, jnp.float32)

        CHUNK = 8
        SLAB = 128
        parts = []
        for s in range(H // SLAB):
            g = w1_ref[s * SLAB:(s + 1) * SLAB, :]

            def step(k, acc):
                rows = at_ref[pl.ds(k * CHUNK, CHUNK), :]
                for r in range(CHUNK):
                    arow = rows[r:r + 1, :]
                    acc = acc + rnd(jnp.maximum(g * arow, 0.0))
                return acc

            parts.append(lax.fori_loop(0, N // CHUNK, step,
                                       jnp.zeros((SLAB, N), jnp.float32)))
        acc = jnp.concatenate(parts, axis=0)
        w2b = rnd(w2_ref[...])
        nl = lax.dot_general(acc, w2b, (((0,), (0,)), ((), ())),
                             precision=lax.Precision.HIGHEST,
                             preferred_element_type=jnp.float32)
        o_ref[...] = nl + float(EPN) * b2_ref[...]

    return pl.pallas_call(
        body,
        out_shape=jax.ShapeDtypeStruct((N, H), jnp.float32),
    )(a_t, W1.reshape(H, 1), b1.reshape(H, 1), W2, b2.reshape(1, H))


def kernel(position_sequence, W1, b1, W2, b2, W3, b3, W4, b4,
           senders, receivers, n_cells):
    del senders, n_cells
    mrp = position_sequence[:, -1]
    px = jnp.asarray(mrp[:, 0], jnp.float32)
    py = jnp.asarray(mrp[:, 1], jnp.float32)
    recv_flat = jnp.pad(receivers.reshape(N, EPN).astype(jnp.int32),
                        ((0, 0), (0, N - EPN))).reshape(-1)
    a_flat = _sc_edge_weights(px, py, recv_flat)
    a_t = a_flat.reshape(N, N).T
    nl = _tc_edge_mlp(a_t, W1, b1, W2, b2)
    n_act = jax.nn.relu(nl @ W3 + b3)
    return jnp.squeeze(n_act @ W4 + b4, axis=-1)

# --- scband reference (transcript-rebuilt; emitter-appended) ---
"""Pipeline reference for scband-learned-simulator-periodic-12876311953724 (READ-ONLY COPY).

The authoritative reference and input builder live on the scoring server;
editing this copy changes nothing except your own understanding.
"""

import jax, jax.numpy as jnp
import numpy as np

N_CELLS = 384
T = 6
D = 2
HIDDEN = 512


def _fully_connected_edges(n):
    idx = np.arange(n)
    s, r = np.meshgrid(idx, idx, indexing='ij')
    mask = s != r
    senders = jnp.asarray(s[mask], dtype=jnp.int32)
    receivers = jnp.asarray(r[mask], dtype=jnp.int32)
    return senders, receivers


def setup_inputs(seed: int = 0) -> dict:
    key = jax.random.key(seed)
    ks = jax.random.split(key, 9)
    position_sequence = jax.random.uniform(ks[0], (N_CELLS, T, D), dtype=jnp.float32) * 2.0 - 1.0
    senders, receivers = _fully_connected_edges(N_CELLS)
    # EnergyGNN(edge_feature_size=1, hidden_size=512, latent_size=512) parameters:
    # edge MLP: 1 -> 512 -> 512, node MLP after scatter-add: 512 -> 512 -> 1
    W1 = jax.random.normal(ks[1], (1, HIDDEN), dtype=jnp.float32) * 1.0
    b1 = jnp.zeros((HIDDEN,), dtype=jnp.float32)
    W2 = jax.random.normal(ks[2], (HIDDEN, HIDDEN), dtype=jnp.float32) * (1.0 / np.sqrt(HIDDEN))
    b2 = jnp.zeros((HIDDEN,), dtype=jnp.float32)
    W3 = jax.random.normal(ks[3], (HIDDEN, HIDDEN), dtype=jnp.float32) * (1.0 / np.sqrt(HIDDEN))
    b3 = jnp.zeros((HIDDEN,), dtype=jnp.float32)
    W4 = jax.random.normal(ks[4], (HIDDEN, 1), dtype=jnp.float32) * (1.0 / np.sqrt(HIDDEN))
    b4 = jnp.zeros((1,), dtype=jnp.float32)
    return {
        'position_sequence': position_sequence,
        'W1': W1, 'b1': b1, 'W2': W2, 'b2': b2,
        'W3': W3, 'b3': b3, 'W4': W4, 'b4': b4,
        'senders': senders, 'receivers': receivers,
        'n_cells': N_CELLS,
    }


def reference(position_sequence, W1, b1, W2, b2, W3, b3, W4, b4, senders, receivers, n_cells):
    # encoder_preprocessor: periodic relative displacements on fully connected graph
    most_recent_position = position_sequence[:, -1]  # [N, D]
    rel = most_recent_position[receivers] - most_recent_position[senders]  # gather [E, D]
    adjusted = (rel + 1.0) % 2.0 - 1.0  # periodic wrap into [-1, 1)
    dist = jnp.linalg.norm(adjusted, axis=-1, keepdims=True)  # [E, 1]
    edge_attr = jnp.exp(-2.0 * dist)  # [E, 1]
    # EnergyGNN: edge MLP -> scatter-add to receiver nodes -> node MLP -> scalar per node
    h = jax.nn.relu(edge_attr @ W1 + b1)  # [E, H]
    h = h @ W2 + b2  # [E, H]
    num_segments = position_sequence.shape[0]
    receivers_used = receivers + (jnp.asarray(n_cells) * 0).astype(jnp.int32)
    node_latent = jax.ops.segment_sum(h, receivers_used, num_segments=num_segments)  # [N, H]
    n = jax.nn.relu(node_latent @ W3 + b3)
    normalized_displacement = n @ W4 + b4  # [N, 1]
    return jnp.squeeze(normalized_displacement, axis=-1)  # [N]

if __name__ == "__main__":
    import jax
    _d = setup_inputs()
    print(jax.jit(kernel)(*tuple(_d.values())))

</pallas_src>

<mosaic_0001>
#map = affine_map<(d0, d1) -> (0)>
module attributes {stable_mosaic.version = 14 : i64} {
  func.func @edge_w(%arg0: i32, %arg1: i32, %arg2: memref<384xf32, #tpu.memory_space<hbm>>, %arg3: memref<384xf32, #tpu.memory_space<hbm>>, %arg4: memref<147456xi32, #tpu.memory_space<hbm>>, %arg5: memref<147456xf32, #tpu.memory_space<hbm>>, %arg6: memref<384xf32, #tpu.memory_space<vmem>>, %arg7: memref<384xf32, #tpu.memory_space<vmem>>, %arg8: memref<4608xi32, #tpu.memory_space<vmem>>, %arg9: memref<4608xf32, #tpu.memory_space<vmem>>) attributes {dimension_semantics = [#tpu.dimension_semantics<core_parallel>, #tpu.dimension_semantics<subcore_parallel>], iteration_bounds = array<i64: 2, 16>, scalar_prefetch = 0 : i64, scratch_operands = 4 : i64, tpu.core_type = #tpu.core_type<sc_vector_subcore>, window_params = [{transform_indices = #map}, {transform_indices = #map}, {transform_indices = #map}, {transform_indices = #map}]} {
    %mul3A = arith.constant 2 : i32
    %mul3A_0 = arith.muli %arg1, %mul3A : i32
    %add3A = arith.addi %mul3A_0, %arg0 : i32
    %mul3A_1 = arith.constant 12 : i32
    %mul3A_2 = arith.muli %add3A, %mul3A_1 : i32
    "tpu.region"() ({
      %run_scoped3A = tpu.sem_alloc : memref<!tpu.dma_semaphore, #tpu.memory_space<semaphore_mem>>
      tpu.enqueue_dma source(%arg2 : memref<384xf32, #tpu.memory_space<hbm>>) target(%arg6 : memref<384xf32, #tpu.memory_space<vmem>>) target_semaphore(%run_scoped3A : memref<!tpu.dma_semaphore, #tpu.memory_space<semaphore_mem>>)
      tpu.wait_dma2 semaphore(%run_scoped3A : memref<!tpu.dma_semaphore, #tpu.memory_space<semaphore_mem>>) src(%arg2 : memref<384xf32, #tpu.memory_space<hbm>>) dst(%arg6 : memref<384xf32, #tpu.memory_space<vmem>>)
      tpu.yield
    }) : () -> ()
    "tpu.region"() ({
      %run_scoped3A = tpu.sem_alloc : memref<!tpu.dma_semaphore, #tpu.memory_space<semaphore_mem>>
      tpu.enqueue_dma source(%arg3 : memref<384xf32, #tpu.memory_space<hbm>>) target(%arg7 : memref<384xf32, #tpu.memory_space<vmem>>) target_semaphore(%run_scoped3A : memref<!tpu.dma_semaphore, #tpu.memory_space<semaphore_mem>>)
      tpu.wait_dma2 semaphore(%run_scoped3A : memref<!tpu.dma_semaphore, #tpu.memory_space<semaphore_mem>>) src(%arg3 : memref<384xf32, #tpu.memory_space<hbm>>) dst(%arg7 : memref<384xf32, #tpu.memory_space<vmem>>)
      tpu.yield
    }) : () -> ()
    %mul3A_3 = arith.constant 384 : i32
    %mul3A_4 = arith.muli %mul3A_2, %mul3A_3 : i32
    "tpu.region"() ({
      %run_scoped3A = tpu.sem_alloc : memref<!tpu.dma_semaphore, #tpu.memory_space<semaphore_mem>>
      %dma_start3A = tpu.memref_slice %arg4[%mul3A_4] : memref<147456xi32, #tpu.memory_space<hbm>> -> memref<4608xi32, #tpu.memory_space<hbm>>
      %dma_start3A_70 = tpu.memref_slice %arg4[%mul3A_4] : memref<147456xi32, #tpu.memory_space<hbm>> -> memref<4608xi32, #tpu.memory_space<hbm>>
      tpu.enqueue_dma source(%dma_start3A_70 : memref<4608xi32, #tpu.memory_space<hbm>>) target(%arg8 : memref<4608xi32, #tpu.memory_space<vmem>>) target_semaphore(%run_scoped3A : memref<!tpu.dma_semaphore, #tpu.memory_space<semaphore_mem>>)
      %dma_wait3A = tpu.memref_slice %arg4[%mul3A_4] : memref<147456xi32, #tpu.memory_space<hbm>> -> memref<4608xi32, #tpu.memory_space<hbm>>
      %dma_wait3A_71 = tpu.memref_slice %arg4[%mul3A_4] : memref<147456xi32, #tpu.memory_space<hbm>> -> memref<4608xi32, #tpu.memory_space<hbm>>
      tpu.wait_dma2 semaphore(%run_scoped3A : memref<!tpu.dma_semaphore, #tpu.memory_space<semaphore_mem>>) src(%dma_wait3A_71 : memref<4608xi32, #tpu.memory_space<hbm>>) dst(%arg8 : memref<4608xi32, #tpu.memory_space<vmem>>)
      tpu.yield
    }) : () -> ()
    %iota3A = tpu.iota {dimensions = array<i32: 0>} : vector<16xi32>
    %add3A_5 = arith.constant 0 : i32
    %add3A_6 = arith.addi %mul3A_2, %add3A_5 : i32
    %broadcast_in_dim3A = vector.broadcast %add3A_6 : i32 to vector<16xi32>
    %gather3A = tpu.vector_load_idx %arg6[%broadcast_in_dim3A] : memref<384xf32, #tpu.memory_space<vmem>>[vector<16xi32>], vector<16xf32>,
    %gather3A_7 = tpu.vector_load_idx %arg7[%broadcast_in_dim3A] : memref<384xf32, #tpu.memory_space<vmem>>[vector<16xi32>], vector<16xf32>,
    %add3A_8 = arith.constant 1 : i32
    %add3A_9 = arith.addi %mul3A_2, %add3A_8 : i32
    %broadcast_in_dim3A_10 = vector.broadcast %add3A_9 : i32 to vector<16xi32>
    %gather3A_11 = tpu.vector_load_idx %arg6[%broadcast_in_dim3A_10] : memref<384xf32, #tpu.memory_space<vmem>>[vector<16xi32>], vector<16xf32>,
    %gather3A_12 = tpu.vector_load_idx %arg7[%broadcast_in_dim3A_10] : memref<384xf32, #tpu.memory_space<vmem>>[vector<16xi32>], vector<16xf32>,
    %add3A_13 = arith.constant 2 : i32
    %add3A_14 = arith.addi %mul3A_2, %add3A_13 : i32
    %broadcast_in_dim3A_15 = vector.broadcast %add3A_14 : i32 to vector<16xi32>
    %gather3A_16 = tpu.vector_load_idx %arg6[%broadcast_in_dim3A_15] : memref<384xf32, #tpu.memory_space<vmem>>[vector<16xi32>], vector<16xf32>,
    %gather3A_17 = tpu.vector_load_idx %arg7[%broadcast_in_dim3A_15] : memref<384xf32, #tpu.memory_space<vmem>>[vector<16xi32>], vector<16xf32>,
    %add3A_18 = arith.constant 3 : i32
    %add3A_19 = arith.addi %mul3A_2, %add3A_18 : i32
    %broadcast_in_dim3A_20 = vector.broadcast %add3A_19 : i32 to vector<16xi32>
    %gather3A_21 = tpu.vector_load_idx %arg6[%broadcast_in_dim3A_20] : memref<384xf32, #tpu.memory_space<vmem>>[vector<16xi32>], vector<16xf32>,
    %gather3A_22 = tpu.vector_load_idx %arg7[%broadcast_in_dim3A_20] : memref<384xf32, #tpu.memory_space<vmem>>[vector<16xi32>], vector<16xf32>,
    %add3A_23 = arith.constant 4 : i32
    %add3A_24 = arith.addi %mul3A_2, %add3A_23 : i32
    %broadcast_in_dim3A_25 = vector.broadcast %add3A_24 : i32 to vector<16xi32>
    %gather3A_26 = tpu.vector_load_idx %arg6[%broadcast_in_dim3A_25] : memref<384xf32, #tpu.memory_space<vmem>>[vector<16xi32>], vector<16xf32>,
    %gather3A_27 = tpu.vector_load_idx %arg7[%broadcast_in_dim3A_25] : memref<384xf32, #tpu.memory_space<vmem>>[vector<16xi32>], vector<16xf32>,
    %add3A_28 = arith.constant 5 : i32
    %add3A_29 = arith.addi %mul3A_2, %add3A_28 : i32
    %broadcast_in_dim3A_30 = vector.broadcast %add3A_29 : i32 to vector<16xi32>
    %gather3A_31 = tpu.vector_load_idx %arg6[%broadcast_in_dim3A_30] : memref<384xf32, #tpu.memory_space<vmem>>[vector<16xi32>], vector<16xf32>,
    %gather3A_32 = tpu.vector_load_idx %arg7[%broadcast_in_dim3A_30] : memref<384xf32, #tpu.memory_space<vmem>>[vector<16xi32>], vector<16xf32>,
    %add3A_33 = arith.constant 6 : i32
    %add3A_34 = arith.addi %mul3A_2, %add3A_33 : i32
    %broadcast_in_dim3A_35 = vector.broadcast %add3A_34 : i32 to vector<16xi32>
    %gather3A_36 = tpu.vector_load_idx %arg6[%broadcast_in_dim3A_35] : memref<384xf32, #tpu.memory_space<vmem>>[vector<16xi32>], vector<16xf32>,
    %gather3A_37 = tpu.vector_load_idx %arg7[%broadcast_in_dim3A_35] : memref<384xf32, #tpu.memory_space<vmem>>[vector<16xi32>], vector<16xf32>,
    %add3A_38 = arith.constant 7 : i32
    %add3A_39 = arith.addi %mul3A_2, %add3A_38 : i32
    %broadcast_in_dim3A_40 = vector.broadcast %add3A_39 : i32 to vector<16xi32>
    %gather3A_41 = tpu.vector_load_idx %arg6[%broadcast_in_dim3A_40] : memref<384xf32, #tpu.memory_space<vmem>>[vector<16xi32>], vector<16xf32>,
    %gather3A_42 = tpu.vector_load_idx %arg7[%broadcast_in_dim3A_40] : memref<384xf32, #tpu.memory_space<vmem>>[vector<16xi32>], vector<16xf32>,
    %add3A_43 = arith.constant 8 : i32
    %add3A_44 = arith.addi %mul3A_2, %add3A_43 : i32
    %broadcast_in_dim3A_45 = vector.broadcast %add3A_44 : i32 to vector<16xi32>
    %gather3A_46 = tpu.vector_load_idx %arg6[%broadcast_in_dim3A_45] : memref<384xf32, #tpu.memory_space<vmem>>[vector<16xi32>], vector<16xf32>,
    %gather3A_47 = tpu.vector_load_idx %arg7[%broadcast_in_dim3A_45] : memref<384xf32, #tpu.memory_space<vmem>>[vector<16xi32>], vector<16xf32>,
    %add3A_48 = arith.constant 9 : i32
    %add3A_49 = arith.addi %mul3A_2, %add3A_48 : i32
    %broadcast_in_dim3A_50 = vector.broadcast %add3A_49 : i32 to vector<16xi32>
    %gather3A_51 = tpu.vector_load_idx %arg6[%broadcast_in_dim3A_50] : memref<384xf32, #tpu.memory_space<vmem>>[vector<16xi32>], vector<16xf32>,
    %gather3A_52 = tpu.vector_load_idx %arg7[%broadcast_in_dim3A_50] : memref<384xf32, #tpu.memory_space<vmem>>[vector<16xi32>], vector<16xf32>,
    %add3A_53 = arith.constant 10 : i32
    %add3A_54 = arith.addi %mul3A_2, %add3A_53 : i32
    %broadcast_in_dim3A_55 = vector.broadcast %add3A_54 : i32 to vector<16xi32>
    %gather3A_56 = tpu.vector_load_idx %arg6[%broadcast_in_dim3A_55] : memref<384xf32, #tpu.memory_space<vmem>>[vector<16xi32>], vector<16xf32>,
    %gather3A_57 = tpu.vector_load_idx %arg7[%broadcast_in_dim3A_55] : memref<384xf32, #tpu.memory_space<vmem>>[vector<16xi32>], vector<16xf32>,
    %add3A_58 = arith.constant 11 : i32
    %add3A_59 = arith.addi %mul3A_2, %add3A_58 : i32
    %broadcast_in_dim3A_60 = vector.broadcast %add3A_59 : i32 to vector<16xi32>
    %gather3A_61 = tpu.vector_load_idx %arg6[%broadcast_in_dim3A_60] : memref<384xf32, #tpu.memory_space<vmem>>[vector<16xi32>], vector<16xf32>,
    %gather3A_62 = tpu.vector_load_idx %arg7[%broadcast_in_dim3A_60] : memref<384xf32, #tpu.memory_space<vmem>>[vector<16xi32>], vector<16xf32>,
    %scan3A = arith.constant 0 : i32
    %scan3A_63 = arith.constant 0 : i32
    %scan3A_64 = arith.constant 24 : i32
    %scan3A_65 = arith.addi %scan3A_63, %scan3A_64 : i32
    %scan3A_66 = arith.constant 1 : i32
    scf.for %scan3A_70 = %scan3A_63 to %scan3A_65 step %scan3A_66  : i32 {
      %mul3A_71 = arith.constant 16 : i32
      %mul3A_72 = arith.muli %scan3A_70, %mul3A_71 : i32
      %add3A_73 = vector.broadcast %mul3A_72 : i32 to vector<16xi32>
      %add3A_74 = arith.addi %iota3A, %add3A_73 : vector<16xi32>
      %lt3A = arith.constant 383 : i32
      %lt3A_75 = vector.broadcast %lt3A : i32 to vector<16xi32>
      %lt3A_76 = arith.cmpi slt, %add3A_74, %lt3A_75 : vector<16xi32>
      %add3A_77 = arith.constant 0 : i32
      %add3A_78 = arith.addi %add3A_77, %mul3A_72 : i32
      %get3A = arith.index_cast %add3A_78 : i32 to index
      %get3A_79 = tpu.vector_load %arg8[%get3A] {strides = array<i32>} : memref<4608xi32, #tpu.memory_space<vmem>>, vector<16xi32>,
      %gather3A_80 = tpu.vector_load_idx %arg6[%get3A_79] : memref<384xf32, #tpu.memory_space<vmem>>[vector<16xi32>], vector<16xf32>,
      %gather3A_81 = tpu.vector_load_idx %arg7[%get3A_79] : memref<384xf32, #tpu.memory_space<vmem>>[vector<16xi32>], vector<16xf32>,
      %sub3A = arith.subf %gather3A, %gather3A_80 : vector<16xf32>
      %add3A_82 = arith.constant 1.000000e+00 : f32
      %add3A_83 = vector.broadcast %add3A_82 : f32 to vector<16xf32>
      %add3A_84 = arith.addf %sub3A, %add3A_83 : vector<16xf32>
      %jit3A = arith.constant 2.000000e+00 : f32
      %rem3A = vector.broadcast %jit3A : f32 to vector<16xf32>
      %rem3A_85 = arith.remf %add3A_84, %rem3A : vector<16xf32>
      %ne3A = arith.constant 0.000000e+00 : f32
      %ne3A_86 = vector.broadcast %ne3A : f32 to vector<16xf32>
      %ne3A_87 = arith.cmpf one, %rem3A_85, %ne3A_86 : vector<16xf32>
      %lt3A_88 = arith.constant 0.000000e+00 : f32
      %lt3A_89 = vector.broadcast %lt3A_88 : f32 to vector<16xf32>
      %lt3A_90 = arith.cmpf olt, %rem3A_85, %lt3A_89 : vector<16xf32>
      %lt3A_91 = arith.constant 0.000000e+00 : f32
      %lt3A_92 = arith.cmpf olt, %jit3A, %lt3A_91 : f32
      %ne3A_93 = vector.broadcast %lt3A_92 : i1 to vector<16xi1>
      %ne3A_94 = vector.broadcast %ne3A_93 : vector<16xi1> to vector<16xi1>
      %ne3A_95 = arith.xori %lt3A_90, %ne3A_94 : vector<16xi1>
      %and3A = arith.andi %ne3A_95, %ne3A_87 : vector<16xi1>
      %add3A_96 = vector.broadcast %jit3A : f32 to vector<16xf32>
      %add3A_97 = arith.addf %rem3A_85, %add3A_96 : vector<16xf32>
      %select_n3A = arith.select %and3A, %add3A_97, %rem3A_85 : vector<16xi1>, vector<16xf32>
      %sub3A_98 = arith.constant 1.000000e+00 : f32
      %sub3A_99 = vector.broadcast %sub3A_98 : f32 to vector<16xf32>
      %sub3A_100 = arith.subf %select_n3A, %sub3A_99 : vector<16xf32>
      %sub3A_101 = arith.subf %gather3A_7, %gather3A_81 : vector<16xf32>
      %add3A_102 = arith.constant 1.000000e+00 : f32
      %add3A_103 = vector.broadcast %add3A_102 : f32 to vector<16xf32>
      %add3A_104 = arith.addf %sub3A_101, %add3A_103 : vector<16xf32>
      %jit3A_105 = arith.constant 2.000000e+00 : f32
      %rem3A_106 = vector.broadcast %jit3A_105 : f32 to vector<16xf32>
      %rem3A_107 = arith.remf %add3A_104, %rem3A_106 : vector<16xf32>
      %ne3A_108 = arith.constant 0.000000e+00 : f32
      %ne3A_109 = vector.broadcast %ne3A_108 : f32 to vector<16xf32>
      %ne3A_110 = arith.cmpf one, %rem3A_107, %ne3A_109 : vector<16xf32>
      %lt3A_111 = arith.constant 0.000000e+00 : f32
      %lt3A_112 = vector.broadcast %lt3A_111 : f32 to vector<16xf32>
      %lt3A_113 = arith.cmpf olt, %rem3A_107, %lt3A_112 : vector<16xf32>
      %lt3A_114 = arith.constant 0.000000e+00 : f32
      %lt3A_115 = arith.cmpf olt, %jit3A_105, %lt3A_114 : f32
      %ne3A_116 = vector.broadcast %lt3A_115 : i1 to vector<16xi1>
      %ne3A_117 = vector.broadcast %ne3A_116 : vector<16xi1> to vector<16xi1>
      %ne3A_118 = arith.xori %lt3A_113, %ne3A_117 : vector<16xi1>
      %and3A_119 = arith.andi %ne3A_118, %ne3A_110 : vector<16xi1>
      %add3A_120 = vector.broadcast %jit3A_105 : f32 to vector<16xf32>
      %add3A_121 = arith.addf %rem3A_107, %add3A_120 : vector<16xf32>
      %select_n3A_122 = arith.select %and3A_119, %add3A_121, %rem3A_107 : vector<16xi1>, vector<16xf32>
      %sub3A_123 = arith.constant 1.000000e+00 : f32
      %sub3A_124 = vector.broadcast %sub3A_123 : f32 to vector<16xf32>
      %sub3A_125 = arith.subf %select_n3A_122, %sub3A_124 : vector<16xf32>
      %mul3A_126 = arith.mulf %sub3A_100, %sub3A_100 : vector<16xf32>
      %mul3A_127 = arith.mulf %sub3A_125, %sub3A_125 : vector<16xf32>
      %add3A_128 = arith.addf %mul3A_126, %mul3A_127 : vector<16xf32>
      %bitcast3A = vector.bitcast %add3A_128 : vector<16xf32> to vector<16xi32>
      %shift_right_arithmetic3A = arith.constant 1 : i32
      %shift_right_arithmetic3A_129 = vector.broadcast %shift_right_arithmetic3A : i32 to vector<16xi32>
      %shift_right_arithmetic3A_130 = arith.shrsi %bitcast3A, %shift_right_arithmetic3A_129 : vector<16xi32>
      %add3A_131 = arith.constant 532487669 : i32
      %add3A_132 = vector.broadcast %add3A_131 : i32 to vector<16xi32>
      %add3A_133 = arith.addi %shift_right_arithmetic3A_130, %add3A_132 : vector<16xi32>
      %bitcast3A_134 = vector.bitcast %add3A_133 : vector<16xi32> to vector<16xf32>
      %div3A = arith.divf %add3A_128, %bitcast3A_134 : vector<16xf32>
      %add3A_135 = arith.addf %bitcast3A_134, %div3A : vector<16xf32>
      %mul3A_136 = arith.constant 5.000000e-01 : f32
      %mul3A_137 = vector.broadcast %mul3A_136 : f32 to vector<16xf32>
      %mul3A_138 = arith.mulf %mul3A_137, %add3A_135 : vector<16xf32>
      %div3A_139 = arith.divf %add3A_128, %mul3A_138 : vector<16xf32>
      %add3A_140 = arith.addf %mul3A_138, %div3A_139 : vector<16xf32>
      %mul3A_141 = arith.constant 5.000000e-01 : f32
      %mul3A_142 = vector.broadcast %mul3A_141 : f32 to vector<16xf32>
      %mul3A_143 = arith.mulf %mul3A_142, %add3A_140 : vector<16xf32>
      %div3A_144 = arith.divf %add3A_128, %mul3A_143 : vector<16xf32>
      %add3A_145 = arith.addf %mul3A_143, %div3A_144 : vector<16xf32>
      %mul3A_146 = arith.constant 5.000000e-01 : f32
      %mul3A_147 = vector.broadcast %mul3A_146 : f32 to vector<16xf32>
      %mul3A_148 = arith.mulf %mul3A_147, %add3A_145 : vector<16xf32>
      %mul3A_149 = arith.constant -2.000000e+00 : f32
      %mul3A_150 = vector.broadcast %mul3A_149 : f32 to vector<16xf32>
      %mul3A_151 = arith.mulf %mul3A_150, %mul3A_148 : vector<16xf32>
      %exp3A = math.exp %mul3A_151 : vector<16xf32>
      %jit3A_152 = arith.constant 0.000000e+00 : f32
      %broadcast_in_dim3A_153 = vector.broadcast %jit3A_152 : f32 to vector<16xf32>
      %select_n3A_154 = arith.select %lt3A_76, %exp3A, %broadcast_in_dim3A_153 : vector<16xi1>, vector<16xf32>
      %add3A_155 = arith.constant 0 : i32
      %add3A_156 = arith.addi %add3A_155, %mul3A_72 : i32
      %swap3A = arith.index_cast %add3A_156 : i32 to index
      %swap3A_157 = tpu.vector_load %arg9[%swap3A] {strides = array<i32>} : memref<4608xf32, #tpu.memory_space<vmem>>, vector<16xf32>,
      tpu.vector_store %arg9[%swap3A], %select_n3A_154 {strides = array<i32>} : memref<4608xf32, #tpu.memory_space<vmem>>, vector<16xf32>,
      %add3A_158 = arith.constant 384 : i32
      %add3A_159 = arith.addi %add3A_158, %mul3A_72 : i32
      %get3A_160 = arith.index_cast %add3A_159 : i32 to index
      %get3A_161 = tpu.vector_load %arg8[%get3A_160] {strides = array<i32>} : memref<4608xi32, #tpu.memory_space<vmem>>, vector<16xi32>,
      %gather3A_162 = tpu.vector_load_idx %arg6[%get3A_161] : memref<384xf32, #tpu.memory_space<vmem>>[vector<16xi32>], vector<16xf32>,
      %gather3A_163 = tpu.vector_load_idx %arg7[%get3A_161] : memref<384xf32, #tpu.memory_space<vmem>>[vector<16xi32>], vector<16xf32>,
      %sub3A_164 = arith.subf %gather3A_11, %gather3A_162 : vector<16xf32>
      %add3A_165 = arith.constant 1.000000e+00 : f32
      %add3A_166 = vector.broadcast %add3A_165 : f32 to vector<16xf32>
      %add3A_167 = arith.addf %sub3A_164, %add3A_166 : vector<16xf32>
      %jit3A_168 = arith.constant 2.000000e+00 : f32
      %rem3A_169 = vector.broadcast %jit3A_168 : f32 to vector<16xf32>
      %rem3A_170 = arith.remf %add3A_167, %rem3A_169 : vector<16xf32>
      %ne3A_171 = arith.constant 0.000000e+00 : f32
      %ne3A_172 = vector.broadcast %ne3A_171 : f32 to vector<16xf32>
      %ne3A_173 = arith.cmpf one, %rem3A_170, %ne3A_172 : vector<16xf32>
      %lt3A_174 = arith.constant 0.000000e+00 : f32
      %lt3A_175 = vector.broadcast %lt3A_174 : f32 to vector<16xf32>
      %lt3A_176 = arith.cmpf olt, %rem3A_170, %lt3A_175 : vector<16xf32>
      %lt3A_177 = arith.constant 0.000000e+00 : f32
      %lt3A_178 = arith.cmpf olt, %jit3A_168, %lt3A_177 : f32
      %ne3A_179 = vector.broadcast %lt3A_178 : i1 to vector<16xi1>
      %ne3A_180 = vector.broadcast %ne3A_179 : vector<16xi1> to vector<16xi1>
      %ne3A_181 = arith.xori %lt3A_176, %ne3A_180 : vector<16xi1>
      %and3A_182 = arith.andi %ne3A_181, %ne3A_173 : vector<16xi1>
      %add3A_183 = vector.broadcast %jit3A_168 : f32 to vector<16xf32>
      %add3A_184 = arith.addf %rem3A_170, %add3A_183 : vector<16xf32>
      %select_n3A_185 = arith.select %and3A_182, %add3A_184, %rem3A_170 : vector<16xi1>, vector<16xf32>
      %sub3A_186 = arith.constant 1.000000e+00 : f32
      %sub3A_187 = vector.broadcast %sub3A_186 : f32 to vector<16xf32>
      %sub3A_188 = arith.subf %select_n3A_185, %sub3A_187 : vector<16xf32>
      %sub3A_189 = arith.subf %gather3A_12, %gather3A_163 : vector<16xf32>
      %add3A_190 = arith.constant 1.000000e+00 : f32
      %add3A_191 = vector.broadcast %add3A_190 : f32 to vector<16xf32>
      %add3A_192 = arith.addf %sub3A_189, %add3A_191 : vector<16xf32>
      %jit3A_193 = arith.constant 2.000000e+00 : f32
      %rem3A_194 = vector.broadcast %jit3A_193 : f32 to vector<16xf32>
      %rem3A_195 = arith.remf %add3A_192, %rem3A_194 : vector<16xf32>
      %ne3A_196 = arith.constant 0.000000e+00 : f32
      %ne3A_197 = vector.broadcast %ne3A_196 : f32 to vector<16xf32>
      %ne3A_198 = arith.cmpf one, %rem3A_195, %ne3A_197 : vector<16xf32>
      %lt3A_199 = arith.constant 0.000000e+00 : f32
      %lt3A_200 = vector.broadcast %lt3A_199 : f32 to vector<16xf32>
      %lt3A_201 = arith.cmpf olt, %rem3A_195, %lt3A_200 : vector<16xf32>
      %lt3A_202 = arith.constant 0.000000e+00 : f32
      %lt3A_203 = arith.cmpf olt, %jit3A_193, %lt3A_202 : f32
      %ne3A_204 = vector.broadcast %lt3A_203 : i1 to vector<16xi1>
      %ne3A_205 = vector.broadcast %ne3A_204 : vector<16xi1> to vector<16xi1>
      %ne3A_206 = arith.xori %lt3A_201, %ne3A_205 : vector<16xi1>
      %and3A_207 = arith.andi %ne3A_206, %ne3A_198 : vector<16xi1>
      %add3A_208 = vector.broadcast %jit3A_193 : f32 to vector<16xf32>
      %add3A_209 = arith.addf %rem3A_195, %add3A_208 : vector<16xf32>
      %select_n3A_210 = arith.select %and3A_207, %add3A_209, %rem3A_195 : vector<16xi1>, vector<16xf32>
      %sub3A_211 = arith.constant 1.000000e+00 : f32
      %sub3A_212 = vector.broadcast %sub3A_211 : f32 to vector<16xf32>
      %sub3A_213 = arith.subf %select_n3A_210, %sub3A_212 : vector<16xf32>
      %mul3A_214 = arith.mulf %sub3A_188, %sub3A_188 : vector<16xf32>
      %mul3A_215 = arith.mulf %sub3A_213, %sub3A_213 : vector<16xf32>
      %add3A_216 = arith.addf %mul3A_214, %mul3A_215 : vector<16xf32>
      %bitcast3A_217 = vector.bitcast %add3A_216 : vector<16xf32> to vector<16xi32>
      %shift_right_arithmetic3A_218 = arith.constant 1 : i32
      %shift_right_arithmetic3A_219 = vector.broadcast %shift_right_arithmetic3A_218 : i32 to vector<16xi32>
      %shift_right_arithmetic3A_220 = arith.shrsi %bitcast3A_217, %shift_right_arithmetic3A_219 : vector<16xi32>
      %add3A_221 = arith.constant 532487669 : i32
      %add3A_222 = vector.broadcast %add3A_221 : i32 to vector<16xi32>
      %add3A_223 = arith.addi %shift_right_arithmetic3A_220, %add3A_222 : vector<16xi32>
      %bitcast3A_224 = vector.bitcast %add3A_223 : vector<16xi32> to vector<16xf32>
      %div3A_225 = arith.divf %add3A_216, %bitcast3A_224 : vector<16xf32>
      %add3A_226 = arith.addf %bitcast3A_224, %div3A_225 : vector<16xf32>
      %mul3A_227 = arith.constant 5.000000e-01 : f32
      %mul3A_228 = vector.broadcast %mul3A_227 : f32 to vector<16xf32>
      %mul3A_229 = arith.mulf %mul3A_228, %add3A_226 : vector<16xf32>
      %div3A_230 = arith.divf %add3A_216, %mul3A_229 : vector<16xf32>
      %add3A_231 = arith.addf %mul3A_229, %div3A_230 : vector<16xf32>
      %mul3A_232 = arith.constant 5.000000e-01 : f32
      %mul3A_233 = vector.broadcast %mul3A_232 : f32 to vector<16xf32>
      %mul3A_234 = arith.mulf %mul3A_233, %add3A_231 : vector<16xf32>
      %div3A_235 = arith.divf %add3A_216, %mul3A_234 : vector<16xf32>
      %add3A_236 = arith.addf %mul3A_234, %div3A_235 : vector<16xf32>
      %mul3A_237 = arith.constant 5.000000e-01 : f32
      %mul3A_238 = vector.broadcast %mul3A_237 : f32 to vector<16xf32>
      %mul3A_239 = arith.mulf %mul3A_238, %add3A_236 : vector<16xf32>
      %mul3A_240 = arith.constant -2.000000e+00 : f32
      %mul3A_241 = vector.broadcast %mul3A_240 : f32 to vector<16xf32>
      %mul3A_242 = arith.mulf %mul3A_241, %mul3A_239 : vector<16xf32>
      %exp3A_243 = math.exp %mul3A_242 : vector<16xf32>
      %jit3A_244 = arith.constant 0.000000e+00 : f32
      %broadcast_in_dim3A_245 = vector.broadcast %jit3A_244 : f32 to vector<16xf32>
      %select_n3A_246 = arith.select %lt3A_76, %exp3A_243, %broadcast_in_dim3A_245 : vector<16xi1>, vector<16xf32>
      %add3A_247 = arith.constant 384 : i32
      %add3A_248 = arith.addi %add3A_247, %mul3A_72 : i32
      %swap3A_249 = arith.index_cast %add3A_248 : i32 to index
      %swap3A_250 = tpu.vector_load %arg9[%swap3A_249] {strides = array<i32>} : memref<4608xf32, #tpu.memory_space<vmem>>, vector<16xf32>,
      tpu.vector_store %arg9[%swap3A_249], %select_n3A_246 {strides = array<i32>} : memref<4608xf32, #tpu.memory_space<vmem>>, vector<16xf32>,
      %add3A_251 = arith.constant 768 : i32
      %add3A_252 = arith.addi %add3A_251, %mul3A_72 : i32
      %get3A_253 = arith.index_cast %add3A_252 : i32 to index
      %get3A_254 = tpu.vector_load %arg8[%get3A_253] {strides = array<i32>} : memref<4608xi32, #tpu.memory_space<vmem>>, vector<16xi32>,
      %gather3A_255 = tpu.vector_load_idx %arg6[%get3A_254] : memref<384xf32, #tpu.memory_space<vmem>>[vector<16xi32>], vector<16xf32>,
      %gather3A_256 = tpu.vector_load_idx %arg7[%get3A_254] : memref<384xf32, #tpu.memory_space<vmem>>[vector<16xi32>], vector<16xf32>,
      %sub3A_257 = arith.subf %gather3A_16, %gather3A_255 : vector<16xf32>
      %add3A_258 = arith.constant 1.000000e+00 : f32
      %add3A_259 = vector.broadcast %add3A_258 : f32 to vector<16xf32>
      %add3A_260 = arith.addf %sub3A_257, %add3A_259 : vector<16xf32>
      %jit3A_261 = arith.constant 2.000000e+00 : f32
      %rem3A_262 = vector.broadcast %jit3A_261 : f32 to vector<16xf32>
      %rem3A_263 = arith.remf %add3A_260, %rem3A_262 : vector<16xf32>
      %ne3A_264 = arith.constant 0.000000e+00 : f32
      %ne3A_265 = vector.broadcast %ne3A_264 : f32 to vector<16xf32>
      %ne3A_266 = arith.cmpf one, %rem3A_263, %ne3A_265 : vector<16xf32>
      %lt3A_267 = arith.constant 0.000000e+00 : f32
      %lt3A_268 = vector.broadcast %lt3A_267 : f32 to vector<16xf32>
      %lt3A_269 = arith.cmpf olt, %rem3A_263, %lt3A_268 : vector<16xf32>
      %lt3A_270 = arith.constant 0.000000e+00 : f32
      %lt3A_271 = arith.cmpf olt, %jit3A_261, %lt3A_270 : f32
      %ne3A_272 = vector.broadcast %lt3A_271 : i1 to vector<16xi1>
      %ne3A_273 = vector.broadcast %ne3A_272 : vector<16xi1> to vector<16xi1>
      %ne3A_274 = arith.xori %lt3A_269, %ne3A_273 : vector<16xi1>
      %and3A_275 = arith.andi %ne3A_274, %ne3A_266 : vector<16xi1>
      %add3A_276 = vector.broadcast %jit3A_261 : f32 to vector<16xf32>
      %add3A_277 = arith.addf %rem3A_263, %add3A_276 : vector<16xf32>
      %select_n3A_278 = arith.select %and3A_275, %add3A_277, %rem3A_263 : vector<16xi1>, vector<16xf32>
      %sub3A_279 = arith.constant 1.000000e+00 : f32
      %sub3A_280 = vector.broadcast %sub3A_279 : f32 to vector<16xf32>
      %sub3A_281 = arith.subf %select_n3A_278, %sub3A_280 : vector<16xf32>
      %sub3A_282 = arith.subf %gather3A_17, %gather3A_256 : vector<16xf32>
      %add3A_283 = arith.constant 1.000000e+00 : f32
      %add3A_284 = vector.broadcast %add3A_283 : f32 to vector<16xf32>
      %add3A_285 = arith.addf %sub3A_282, %add3A_284 : vector<16xf32>
      %jit3A_286 = arith.constant 2.000000e+00 : f32
      %rem3A_287 = vector.broadcast %jit3A_286 : f32 to vector<16xf32>
      %rem3A_288 = arith.remf %add3A_285, %rem3A_287 : vector<16xf32>
      %ne3A_289 = arith.constant 0.000000e+00 : f32
      %ne3A_290 = vector.broadcast %ne3A_289 : f32 to vector<16xf32>
      %ne3A_291 = arith.cmpf one, %rem3A_288, %ne3A_290 : vector<16xf32>
      %lt3A_292 = arith.constant 0.000000e+00 : f32
      %lt3A_293 = vector.broadcast %lt3A_292 : f32 to vector<16xf32>
      %lt3A_294 = arith.cmpf olt, %rem3A_288, %lt3A_293 : vector<16xf32>
      %lt3A_295 = arith.constant 0.000000e+00 : f32
      %lt3A_296 = arith.cmpf olt, %jit3A_286, %lt3A_295 : f32
      %ne3A_297 = vector.broadcast %lt3A_296 : i1 to vector<16xi1>
      %ne3A_298 = vector.broadcast %ne3A_297 : vector<16xi1> to vector<16xi1>
      %ne3A_299 = arith.xori %lt3A_294, %ne3A_298 : vector<16xi1>
      %and3A_300 = arith.andi %ne3A_299, %ne3A_291 : vector<16xi1>
      %add3A_301 = vector.broadcast %jit3A_286 : f32 to vector<16xf32>
      %add3A_302 = arith.addf %rem3A_288, %add3A_301 : vector<16xf32>
      %select_n3A_303 = arith.select %and3A_300, %add3A_302, %rem3A_288 : vector<16xi1>, vector<16xf32>
      %sub3A_304 = arith.constant 1.000000e+00 : f32
      %sub3A_305 = vector.broadcast %sub3A_304 : f32 to vector<16xf32>
      %sub3A_306 = arith.subf %select_n3A_303, %sub3A_305 : vector<16xf32>
      %mul3A_307 = arith.mulf %sub3A_281, %sub3A_281 : vector<16xf32>
      %mul3A_308 = arith.mulf %sub3A_306, %sub3A_306 : vector<16xf32>
      %add3A_309 = arith.addf %mul3A_307, %mul3A_308 : vector<16xf32>
      %bitcast3A_310 = vector.bitcast %add3A_309 : vector<16xf32> to vector<16xi32>
      %shift_right_arithmetic3A_311 = arith.constant 1 : i32
      %shift_right_arithmetic3A_312 = vector.broadcast %shift_right_arithmetic3A_311 : i32 to vector<16xi32>
      %shift_right_arithmetic3A_313 = arith.shrsi %bitcast3A_310, %shift_right_arithmetic3A_312 : vector<16xi32>
      %add3A_314 = arith.constant 532487669 : i32
      %add3A_315 = vector.broadcast %add3A_314 : i32 to vector<16xi32>
      %add3A_316 = arith.addi %shift_right_arithmetic3A_313, %add3A_315 : vector<16xi32>
      %bitcast3A_317 = vector.bitcast %add3A_316 : vector<16xi32> to vector<16xf32>
      %div3A_318 = arith.divf %add3A_309, %bitcast3A_317 : vector<16xf32>
      %add3A_319 = arith.addf %bitcast3A_317, %div3A_318 : vector<16xf32>
      %mul3A_320 = arith.constant 5.000000e-01 : f32
      %mul3A_321 = vector.broadcast %mul3A_320 : f32 to vector<16xf32>
      %mul3A_322 = arith.mulf %mul3A_321, %add3A_319 : vector<16xf32>
      %div3A_323 = arith.divf %add3A_309, %mul3A_322 : vector<16xf32>
      %add3A_324 = arith.addf %mul3A_322, %div3A_323 : vector<16xf32>
      %mul3A_325 = arith.constant 5.000000e-01 : f32
      %mul3A_326 = vector.broadcast %mul3A_325 : f32 to vector<16xf32>
      %mul3A_327 = arith.mulf %mul3A_326, %add3A_324 : vector<16xf32>
      %div3A_328 = arith.divf %add3A_309, %mul3A_327 : vector<16xf32>
      %add3A_329 = arith.addf %mul3A_327, %div3A_328 : vector<16xf32>
      %mul3A_330 = arith.constant 5.000000e-01 : f32
      %mul3A_331 = vector.broadcast %mul3A_330 : f32 to vector<16xf32>
      %mul3A_332 = arith.mulf %mul3A_331, %add3A_329 : vector<16xf32>
      %mul3A_333 = arith.constant -2.000000e+00 : f32
      %mul3A_334 = vector.broadcast %mul3A_333 : f32 to vector<16xf32>
      %mul3A_335 = arith.mulf %mul3A_334, %mul3A_332 : vector<16xf32>
      %exp3A_336 = math.exp %mul3A_335 : vector<16xf32>
      %jit3A_337 = arith.constant 0.000000e+00 : f32
      %broadcast_in_dim3A_338 = vector.broadcast %jit3A_337 : f32 to vector<16xf32>
      %select_n3A_339 = arith.select %lt3A_76, %exp3A_336, %broadcast_in_dim3A_338 : vector<16xi1>, vector<16xf32>
      %add3A_340 = arith.constant 768 : i32
      %add3A_341 = arith.addi %add3A_340, %mul3A_72 : i32
      %swap3A_342 = arith.index_cast %add3A_341 : i32 to index
      %swap3A_343 = tpu.vector_load %arg9[%swap3A_342] {strides = array<i32>} : memref<4608xf32, #tpu.memory_space<vmem>>, vector<16xf32>,
      tpu.vector_store %arg9[%swap3A_342], %select_n3A_339 {strides = array<i32>} : memref<4608xf32, #tpu.memory_space<vmem>>, vector<16xf32>,
      %add3A_344 = arith.constant 1152 : i32
      %add3A_345 = arith.addi %add3A_344, %mul3A_72 : i32
      %get3A_346 = arith.index_cast %add3A_345 : i32 to index
      %get3A_347 = tpu.vector_load %arg8[%get3A_346] {strides = array<i32>} : memref<4608xi32, #tpu.memory_space<vmem>>, vector<16xi32>,
      %gather3A_348 = tpu.vector_load_idx %arg6[%get3A_347] : memref<384xf32, #tpu.memory_space<vmem>>[vector<16xi32>], vector<16xf32>,
      %gather3A_349 = tpu.vector_load_idx %arg7[%get3A_347] : memref<384xf32, #tpu.memory_space<vmem>>[vector<16xi32>], vector<16xf32>,
      %sub3A_350 = arith.subf %gather3A_21, %gather3A_348 : vector<16xf32>
      %add3A_351 = arith.constant 1.000000e+00 : f32
      %add3A_352 = vector.broadcast %add3A_351 : f32 to vector<16xf32>
      %add3A_353 = arith.addf %sub3A_350, %add3A_352 : vector<16xf32>
      %jit3A_354 = arith.constant 2.000000e+00 : f32
      %rem3A_355 = vector.broadcast %jit3A_354 : f32 to vector<16xf32>
      %rem3A_356 = arith.remf %add3A_353, %rem3A_355 : vector<16xf32>
      %ne3A_357 = arith.constant 0.000000e+00 : f32
      %ne3A_358 = vector.broadcast %ne3A_357 : f32 to vector<16xf32>
      %ne3A_359 = arith.cmpf one, %rem3A_356, %ne3A_358 : vector<16xf32>
      %lt3A_360 = arith.constant 0.000000e+00 : f32
      %lt3A_361 = vector.broadcast %lt3A_360 : f32 to vector<16xf32>
      %lt3A_362 = arith.cmpf olt, %rem3A_356, %lt3A_361 : vector<16xf32>
      %lt3A_363 = arith.constant 0.000000e+00 : f32
      %lt3A_364 = arith.cmpf olt, %jit3A_354, %lt3A_363 : f32
      %ne3A_365 = vector.broadcast %lt3A_364 : i1 to vector<16xi1>
      %ne3A_366 = vector.broadcast %ne3A_365 : vector<16xi1> to vector<16xi1>
      %ne3A_367 = arith.xori %lt3A_362, %ne3A_366 : vector<16xi1>
      %and3A_368 = arith.andi %ne3A_367, %ne3A_359 : vector<16xi1>
      %add3A_369 = vector.broadcast %jit3A_354 : f32 to vector<16xf32>
      %add3A_370 = arith.addf %rem3A_356, %add3A_369 : vector<16xf32>
      %select_n3A_371 = arith.select %and3A_368, %add3A_370, %rem3A_356 : vector<16xi1>, vector<16xf32>
      %sub3A_372 = arith.constant 1.000000e+00 : f32
      %sub3A_373 = vector.broadcast %sub3A_372 : f32 to vector<16xf32>
      %sub3A_374 = arith.subf %select_n3A_371, %sub3A_373 : vector<16xf32>
      %sub3A_375 = arith.subf %gather3A_22, %gather3A_349 : vector<16xf32>
      %add3A_376 = arith.constant 1.000000e+00 : f32
      %add3A_377 = vector.broadcast %add3A_376 : f32 to vector<16xf32>
      %add3A_378 = arith.addf %sub3A_375, %add3A_377 : vector<16xf32>
      %jit3A_379 = arith.constant 2.000000e+00 : f32
      %rem3A_380 = vector.broadcast %jit3A_379 : f32 to vector<16xf32>
      %rem3A_381 = arith.remf %add3A_378, %rem3A_380 : vector<16xf32>
      %ne3A_382 = arith.constant 0.000000e+00 : f32
      %ne3A_383 = vector.broadcast %ne3A_382 : f32 to vector<16xf32>
      %ne3A_384 = arith.cmpf one, %rem3A_381, %ne3A_383 : vector<16xf32>
      %lt3A_385 = arith.constant 0.000000e+00 : f32
      %lt3A_386 = vector.broadcast %lt3A_385 : f32 to vector<16xf32>
      %lt3A_387 = arith.cmpf olt, %rem3A_381, %lt3A_386 : vector<16xf32>
      %lt3A_388 = arith.constant 0.000000e+00 : f32
      %lt3A_389 = arith.cmpf olt, %jit3A_379, %lt3A_388 : f32
      %ne3A_390 = vector.broadcast %lt3A_389 : i1 to vector<16xi1>
      %ne3A_391 = vector.broadcast %ne3A_390 : vector<16xi1> to vector<16xi1>
      %ne3A_392 = arith.xori %lt3A_387, %ne3A_391 : vector<16xi1>
      %and3A_393 = arith.andi %ne3A_392, %ne3A_384 : vector<16xi1>
      %add3A_394 = vector.broadcast %jit3A_379 : f32 to vector<16xf32>
      %add3A_395 = arith.addf %rem3A_381, %add3A_394 : vector<16xf32>
      %select_n3A_396 = arith.select %and3A_393, %add3A_395, %rem3A_381 : vector<16xi1>, vector<16xf32>
      %sub3A_397 = arith.constant 1.000000e+00 : f32
      %sub3A_398 = vector.broadcast %sub3A_397 : f32 to vector<16xf32>
      %sub3A_399 = arith.subf %select_n3A_396, %sub3A_398 : vector<16xf32>
      %mul3A_400 = arith.mulf %sub3A_374, %sub3A_374 : vector<16xf32>
      %mul3A_401 = arith.mulf %sub3A_399, %sub3A_399 : vector<16xf32>
      %add3A_402 = arith.addf %mul3A_400, %mul3A_401 : vector<16xf32>
      %bitcast3A_403 = vector.bitcast %add3A_402 : vector<16xf32> to vector<16xi32>
      %shift_right_arithmetic3A_404 = arith.constant 1 : i32
      %shift_right_arithmetic3A_405 = vector.broadcast %shift_right_arithmetic3A_404 : i32 to vector<16xi32>
      %shift_right_arithmetic3A_406 = arith.shrsi %bitcast3A_403, %shift_right_arithmetic3A_405 : vector<16xi32>
      %add3A_407 = arith.constant 532487669 : i32
      %add3A_408 = vector.broadcast %add3A_407 : i32 to vector<16xi32>
      %add3A_409 = arith.addi %shift_right_arithmetic3A_406, %add3A_408 : vector<16xi32>
      %bitcast3A_410 = vector.bitcast %add3A_409 : vector<16xi32> to vector<16xf32>
      %div3A_411 = arith.divf %add3A_402, %bitcast3A_410 : vector<16xf32>
      %add3A_412 = arith.addf %bitcast3A_410, %div3A_411 : vector<16xf32>
      %mul3A_413 = arith.constant 5.000000e-01 : f32
      %mul3A_414 = vector.broadcast %mul3A_413 : f32 to vector<16xf32>
      %mul3A_415 = arith.mulf %mul3A_414, %add3A_412 : vector<16xf32>
      %div3A_416 = arith.divf %add3A_402, %mul3A_415 : vector<16xf32>
      %add3A_417 = arith.addf %mul3A_415, %div3A_416 : vector<16xf32>
      %mul3A_418 = arith.constant 5.000000e-01 : f32
      %mul3A_419 = vector.broadcast %mul3A_418 : f32 to vector<16xf32>
      %mul3A_420 = arith.mulf %mul3A_419, %add3A_417 : vector<16xf32>
      %div3A_421 = arith.divf %add3A_402, %mul3A_420 : vector<16xf32>
      %add3A_422 = arith.addf %mul3A_420, %div3A_421 : vector<16xf32>
      %mul3A_423 = arith.constant 5.000000e-01 : f32
      %mul3A_424 = vector.broadcast %mul3A_423 : f32 to vector<16xf32>
      %mul3A_425 = arith.mulf %mul3A_424, %add3A_422 : vector<16xf32>
      %mul3A_426 = arith.constant -2.000000e+00 : f32
      %mul3A_427 = vector.broadcast %mul3A_426 : f32 to vector<16xf32>
      %mul3A_428 = arith.mulf %mul3A_427, %mul3A_425 : vector<16xf32>
      %exp3A_429 = math.exp %mul3A_428 : vector<16xf32>
      %jit3A_430 = arith.constant 0.000000e+00 : f32
      %broadcast_in_dim3A_431 = vector.broadcast %jit3A_430 : f32 to vector<16xf32>
      %select_n3A_432 = arith.select %lt3A_76, %exp3A_429, %broadcast_in_dim3A_431 : vector<16xi1>, vector<16xf32>
      %add3A_433 = arith.constant 1152 : i32
      %add3A_434 = arith.addi %add3A_433, %mul3A_72 : i32
      %swap3A_435 = arith.index_cast %add3A_434 : i32 to index
      %swap3A_436 = tpu.vector_load %arg9[%swap3A_435] {strides = array<i32>} : memref<4608xf32, #tpu.memory_space<vmem>>, vector<16xf32>,
      tpu.vector_store %arg9[%swap3A_435], %select_n3A_432 {strides = array<i32>} : memref<4608xf32, #tpu.memory_space<vmem>>, vector<16xf32>,
      %add3A_437 = arith.constant 1536 : i32
      %add3A_438 = arith.addi %add3A_437, %mul3A_72 : i32
      %get3A_439 = arith.index_cast %add3A_438 : i32 to index
      %get3A_440 = tpu.vector_load %arg8[%get3A_439] {strides = array<i32>} : memref<4608xi32, #tpu.memory_space<vmem>>, vector<16xi32>,
      %gather3A_441 = tpu.vector_load_idx %arg6[%get3A_440] : memref<384xf32, #tpu.memory_space<vmem>>[vector<16xi32>], vector<16xf32>,
      %gather3A_442 = tpu.vector_load_idx %arg7[%get3A_440] : memref<384xf32, #tpu.memory_space<vmem>>[vector<16xi32>], vector<16xf32>,
      %sub3A_443 = arith.subf %gather3A_26, %gather3A_441 : vector<16xf32>
      %add3A_444 = arith.constant 1.000000e+00 : f32
      %add3A_445 = vector.broadcast %add3A_444 : f32 to vector<16xf32>
      %add3A_446 = arith.addf %sub3A_443, %add3A_445 : vector<16xf32>
      %jit3A_447 = arith.constant 2.000000e+00 : f32
      %rem3A_448 = vector.broadcast %jit3A_447 : f32 to vector<16xf32>
      %rem3A_449 = arith.remf %add3A_446, %rem3A_448 : vector<16xf32>
      %ne3A_450 = arith.constant 0.000000e+00 : f32
      %ne3A_451 = vector.broadcast %ne3A_450 : f32 to vector<16xf32>
      %ne3A_452 = arith.cmpf one, %rem3A_449, %ne3A_451 : vector<16xf32>
      %lt3A_453 = arith.constant 0.000000e+00 : f32
      %lt3A_454 = vector.broadcast %lt3A_453 : f32 to vector<16xf32>
      %lt3A_455 = arith.cmpf olt, %rem3A_449, %lt3A_454 : vector<16xf32>
      %lt3A_456 = arith.constant 0.000000e+00 : f32
      %lt3A_457 = arith.cmpf olt, %jit3A_447, %lt3A_456 : f32
      %ne3A_458 = vector.broadcast %lt3A_457 : i1 to vector<16xi1>
      %ne3A_459 = vector.broadcast %ne3A_458 : vector<16xi1> to vector<16xi1>
      %ne3A_460 = arith.xori %lt3A_455, %ne3A_459 : vector<16xi1>
      %and3A_461 = arith.andi %ne3A_460, %ne3A_452 : vector<16xi1>
      %add3A_462 = vector.broadcast %jit3A_447 : f32 to vector<16xf32>
      %add3A_463 = arith.addf %rem3A_449, %add3A_462 : vector<16xf32>
      %select_n3A_464 = arith.select %and3A_461, %add3A_463, %rem3A_449 : vector<16xi1>, vector<16xf32>
      %sub3A_465 = arith.constant 1.000000e+00 : f32
      %sub3A_466 = vector.broadcast %sub3A_465 : f32 to vector<16xf32>
      %sub3A_467 = arith.subf %select_n3A_464, %sub3A_466 : vector<16xf32>
      %sub3A_468 = arith.subf %gather3A_27, %gather3A_442 : vector<16xf32>
      %add3A_469 = arith.constant 1.000000e+00 : f32
      %add3A_470 = vector.broadcast %add3A_469 : f32 to vector<16xf32>
      %add3A_471 = arith.addf %sub3A_468, %add3A_470 : vector<16xf32>
      %jit3A_472 = arith.constant 2.000000e+00 : f32
      %rem3A_473 = vector.broadcast %jit3A_472 : f32 to vector<16xf32>
      %rem3A_474 = arith.remf %add3A_471, %rem3A_473 : vector<16xf32>
      %ne3A_475 = arith.constant 0.000000e+00 : f32
      %ne3A_476 = vector.broadcast %ne3A_475 : f32 to vector<16xf32>
      %ne3A_477 = arith.cmpf one, %rem3A_474, %ne3A_476 : vector<16xf32>
      %lt3A_478 = arith.constant 0.000000e+00 : f32
      %lt3A_479 = vector.broadcast %lt3A_478 : f32 to vector<16xf32>
      %lt3A_480 = arith.cmpf olt, %rem3A_474, %lt3A_479 : vector<16xf32>
      %lt3A_481 = arith.constant 0.000000e+00 : f32
      %lt3A_482 = arith.cmpf olt, %jit3A_472, %lt3A_481 : f32
      %ne3A_483 = vector.broadcast %lt3A_482 : i1 to vector<16xi1>
      %ne3A_484 = vector.broadcast %ne3A_483 : vector<16xi1> to vector<16xi1>
      %ne3A_485 = arith.xori %lt3A_480, %ne3A_484 : vector<16xi1>
      %and3A_486 = arith.andi %ne3A_485, %ne3A_477 : vector<16xi1>
      %add3A_487 = vector.broadcast %jit3A_472 : f32 to vector<16xf32>
      %add3A_488 = arith.addf %rem3A_474, %add3A_487 : vector<16xf32>
      %select_n3A_489 = arith.select %and3A_486, %add3A_488, %rem3A_474 : vector<16xi1>, vector<16xf32>
      %sub3A_490 = arith.constant 1.000000e+00 : f32
      %sub3A_491 = vector.broadcast %sub3A_490 : f32 to vector<16xf32>
      %sub3A_492 = arith.subf %select_n3A_489, %sub3A_491 : vector<16xf32>
      %mul3A_493 = arith.mulf %sub3A_467, %sub3A_467 : vector<16xf32>
      %mul3A_494 = arith.mulf %sub3A_492, %sub3A_492 : vector<16xf32>
      %add3A_495 = arith.addf %mul3A_493, %mul3A_494 : vector<16xf32>
      %bitcast3A_496 = vector.bitcast %add3A_495 : vector<16xf32> to vector<16xi32>
      %shift_right_arithmetic3A_497 = arith.constant 1 : i32
      %shift_right_arithmetic3A_498 = vector.broadcast %shift_right_arithmetic3A_497 : i32 to vector<16xi32>
      %shift_right_arithmetic3A_499 = arith.shrsi %bitcast3A_496, %shift_right_arithmetic3A_498 : vector<16xi32>
      %add3A_500 = arith.constant 532487669 : i32
      %add3A_501 = vector.broadcast %add3A_500 : i32 to vector<16xi32>
      %add3A_502 = arith.addi %shift_right_arithmetic3A_499, %add3A_501 : vector<16xi32>
      %bitcast3A_503 = vector.bitcast %add3A_502 : vector<16xi32> to vector<16xf32>
      %div3A_504 = arith.divf %add3A_495, %bitcast3A_503 : vector<16xf32>
      %add3A_505 = arith.addf %bitcast3A_503, %div3A_504 : vector<16xf32>
      %mul3A_506 = arith.constant 5.000000e-01 : f32
      %mul3A_507 = vector.broadcast %mul3A_506 : f32 to vector<16xf32>
      %mul3A_508 = arith.mulf %mul3A_507, %add3A_505 : vector<16xf32>
      %div3A_509 = arith.divf %add3A_495, %mul3A_508 : vector<16xf32>
      %add3A_510 = arith.addf %mul3A_508, %div3A_509 : vector<16xf32>
      %mul3A_511 = arith.constant 5.000000e-01 : f32
      %mul3A_512 = vector.broadcast %mul3A_511 : f32 to vector<16xf32>
      %mul3A_513 = arith.mulf %mul3A_512, %add3A_510 : vector<16xf32>
      %div3A_514 = arith.divf %add3A_495, %mul3A_513 : vector<16xf32>
      %add3A_515 = arith.addf %mul3A_513, %div3A_514 : vector<16xf32>
      %mul3A_516 = arith.constant 5.000000e-01 : f32
      %mul3A_517 = vector.broadcast %mul3A_516 : f32 to vector<16xf32>
      %mul3A_518 = arith.mulf %mul3A_517, %add3A_515 : vector<16xf32>
      %mul3A_519 = arith.constant -2.000000e+00 : f32
      %mul3A_520 = vector.broadcast %mul3A_519 : f32 to vector<16xf32>
      %mul3A_521 = arith.mulf %mul3A_520, %mul3A_518 : vector<16xf32>
      %exp3A_522 = math.exp %mul3A_521 : vector<16xf32>
      %jit3A_523 = arith.constant 0.000000e+00 : f32
      %broadcast_in_dim3A_524 = vector.broadcast %jit3A_523 : f32 to vector<16xf32>
      %select_n3A_525 = arith.select %lt3A_76, %exp3A_522, %broadcast_in_dim3A_524 : vector<16xi1>, vector<16xf32>
      %add3A_526 = arith.constant 1536 : i32
      %add3A_527 = arith.addi %add3A_526, %mul3A_72 : i32
      %swap3A_528 = arith.index_cast %add3A_527 : i32 to index
      %swap3A_529 = tpu.vector_load %arg9[%swap3A_528] {strides = array<i32>} : memref<4608xf32, #tpu.memory_space<vmem>>, vector<16xf32>,
      tpu.vector_store %arg9[%swap3A_528], %select_n3A_525 {strides = array<i32>} : memref<4608xf32, #tpu.memory_space<vmem>>, vector<16xf32>,
      %add3A_530 = arith.constant 1920 : i32
      %add3A_531 = arith.addi %add3A_530, %mul3A_72 : i32
      %get3A_532 = arith.index_cast %add3A_531 : i32 to index
      %get3A_533 = tpu.vector_load %arg8[%get3A_532] {strides = array<i32>} : memref<4608xi32, #tpu.memory_space<vmem>>, vector<16xi32>,
      %gather3A_534 = tpu.vector_load_idx %arg6[%get3A_533] : memref<384xf32, #tpu.memory_space<vmem>>[vector<16xi32>], vector<16xf32>,
      %gather3A_535 = tpu.vector_load_idx %arg7[%get3A_533] : memref<384xf32, #tpu.memory_space<vmem>>[vector<16xi32>], vector<16xf32>,
      %sub3A_536 = arith.subf %gather3A_31, %gather3A_534 : vector<16xf32>
      %add3A_537 = arith.constant 1.000000e+00 : f32
      %add3A_538 = vector.broadcast %add3A_537 : f32 to vector<16xf32>
      %add3A_539 = arith.addf %sub3A_536, %add3A_538 : vector<16xf32>
      %jit3A_540 = arith.constant 2.000000e+00 : f32
      %rem3A_541 = vector.broadcast %jit3A_540 : f32 to vector<16xf32>
      %rem3A_542 = arith.remf %add3A_539, %rem3A_541 : vector<16xf32>
      %ne3A_543 = arith.constant 0.000000e+00 : f32
      %ne3A_544 = vector.broadcast %ne3A_543 : f32 to vector<16xf32>
      %ne3A_545 = arith.cmpf one, %rem3A_542, %ne3A_544 : vector<16xf32>
      %lt3A_546 = arith.constant 0.000000e+00 : f32
      %lt3A_547 = vector.broadcast %lt3A_546 : f32 to vector<16xf32>
      %lt3A_548 = arith.cmpf olt, %rem3A_542, %lt3A_547 : vector<16xf32>
      %lt3A_549 = arith.constant 0.000000e+00 : f32
      %lt3A_550 = arith.cmpf olt, %jit3A_540, %lt3A_549 : f32
      %ne3A_551 = vector.broadcast %lt3A_550 : i1 to vector<16xi1>
      %ne3A_552 = vector.broadcast %ne3A_551 : vector<16xi1> to vector<16xi1>
      %ne3A_553 = arith.xori %lt3A_548, %ne3A_552 : vector<16xi1>
      %and3A_554 = arith.andi %ne3A_553, %ne3A_545 : vector<16xi1>
      %add3A_555 = vector.broadcast %jit3A_540 : f32 to vector<16xf32>
      %add3A_556 = arith.addf %rem3A_542, %add3A_555 : vector<16xf32>
      %select_n3A_557 = arith.select %and3A_554, %add3A_556, %rem3A_542 : vector<16xi1>, vector<16xf32>
      %sub3A_558 = arith.constant 1.000000e+00 : f32
      %sub3A_559 = vector.broadcast %sub3A_558 : f32 to vector<16xf32>
      %sub3A_560 = arith.subf %select_n3A_557, %sub3A_559 : vector<16xf32>
      %sub3A_561 = arith.subf %gather3A_32, %gather3A_535 : vector<16xf32>
      %add3A_562 = arith.constant 1.000000e+00 : f32
      %add3A_563 = vector.broadcast %add3A_562 : f32 to vector<16xf32>
      %add3A_564 = arith.addf %sub3A_561, %add3A_563 : vector<16xf32>
      %jit3A_565 = arith.constant 2.000000e+00 : f32
      %rem3A_566 = vector.broadcast %jit3A_565 : f32 to vector<16xf32>
      %rem3A_567 = arith.remf %add3A_564, %rem3A_566 : vector<16xf32>
      %ne3A_568 = arith.constant 0.000000e+00 : f32
      %ne3A_569 = vector.broadcast %ne3A_568 : f32 to vector<16xf32>
      %ne3A_570 = arith.cmpf one, %rem3A_567, %ne3A_569 : vector<16xf32>
      %lt3A_571 = arith.constant 0.000000e+00 : f32
      %lt3A_572 = vector.broadcast %lt3A_571 : f32 to vector<16xf32>
      %lt3A_573 = arith.cmpf olt, %rem3A_567, %lt3A_572 : vector<16xf32>
      %lt3A_574 = arith.constant 0.000000e+00 : f32
      %lt3A_575 = arith.cmpf olt, %jit3A_565, %lt3A_574 : f32
      %ne3A_576 = vector.broadcast %lt3A_575 : i1 to vector<16xi1>
      %ne3A_577 = vector.broadcast %ne3A_576 : vector<16xi1> to vector<16xi1>
      %ne3A_578 = arith.xori %lt3A_573, %ne3A_577 : vector<16xi1>
      %and3A_579 = arith.andi %ne3A_578, %ne3A_570 : vector<16xi1>
      %add3A_580 = vector.broadcast %jit3A_565 : f32 to vector<16xf32>
      %add3A_581 = arith.addf %rem3A_567, %add3A_580 : vector<16xf32>
      %select_n3A_582 = arith.select %and3A_579, %add3A_581, %rem3A_567 : vector<16xi1>, vector<16xf32>
      %sub3A_583 = arith.constant 1.000000e+00 : f32
      %sub3A_584 = vector.broadcast %sub3A_583 : f32 to vector<16xf32>
      %sub3A_585 = arith.subf %select_n3A_582, %sub3A_584 : vector<16xf32>
      %mul3A_586 = arith.mulf %sub3A_560, %sub3A_560 : vector<16xf32>
      %mul3A_587 = arith.mulf %sub3A_585, %sub3A_585 : vector<16xf32>
      %add3A_588 = arith.addf %mul3A_586, %mul3A_587 : vector<16xf32>
      %bitcast3A_589 = vector.bitcast %add3A_588 : vector<16xf32> to vector<16xi32>
      %shift_right_arithmetic3A_590 = arith.constant 1 : i32
      %shift_right_arithmetic3A_591 = vector.broadcast %shift_right_arithmetic3A_590 : i32 to vector<16xi32>
      %shift_right_arithmetic3A_592 = arith.shrsi %bitcast3A_589, %shift_right_arithmetic3A_591 : vector<16xi32>
      %add3A_593 = arith.constant 532487669 : i32
      %add3A_594 = vector.broadcast %add3A_593 : i32 to vector<16xi32>
      %add3A_595 = arith.addi %shift_right_arithmetic3A_592, %add3A_594 : vector<16xi32>
      %bitcast3A_596 = vector.bitcast %add3A_595 : vector<16xi32> to vector<16xf32>
      %div3A_597 = arith.divf %add3A_588, %bitcast3A_596 : vector<16xf32>
      %add3A_598 = arith.addf %bitcast3A_596, %div3A_597 : vector<16xf32>
      %mul3A_599 = arith.constant 5.000000e-01 : f32
      %mul3A_600 = vector.broadcast %mul3A_599 : f32 to vector<16xf32>
      %mul3A_601 = arith.mulf %mul3A_600, %add3A_598 : vector<16xf32>
      %div3A_602 = arith.divf %add3A_588, %mul3A_601 : vector<16xf32>
      %add3A_603 = arith.addf %mul3A_601, %div3A_602 : vector<16xf32>
      %mul3A_604 = arith.constant 5.000000e-01 : f32
      %mul3A_605 = vector.broadcast %mul3A_604 : f32 to vector<16xf32>
      %mul3A_606 = arith.mulf %mul3A_605, %add3A_603 : vector<16xf32>
      %div3A_607 = arith.divf %add3A_588, %mul3A_606 : vector<16xf32>
      %add3A_608 = arith.addf %mul3A_606, %div3A_607 : vector<16xf32>
      %mul3A_609 = arith.constant 5.000000e-01 : f32
      %mul3A_610 = vector.broadcast %mul3A_609 : f32 to vector<16xf32>
      %mul3A_611 = arith.mulf %mul3A_610, %add3A_608 : vector<16xf32>
      %mul3A_612 = arith.constant -2.000000e+00 : f32
      %mul3A_613 = vector.broadcast %mul3A_612 : f32 to vector<16xf32>
      %mul3A_614 = arith.mulf %mul3A_613, %mul3A_611 : vector<16xf32>
      %exp3A_615 = math.exp %mul3A_614 : vector<16xf32>
      %jit3A_616 = arith.constant 0.000000e+00 : f32
      %broadcast_in_dim3A_617 = vector.broadcast %jit3A_616 : f32 to vector<16xf32>
      %select_n3A_618 = arith.select %lt3A_76, %exp3A_615, %broadcast_in_dim3A_617 : vector<16xi1>, vector<16xf32>
      %add3A_619 = arith.constant 1920 : i32
      %add3A_620 = arith.addi %add3A_619, %mul3A_72 : i32
      %swap3A_621 = arith.index_cast %add3A_620 : i32 to index
      %swap3A_622 = tpu.vector_load %arg9[%swap3A_621] {strides = array<i32>} : memref<4608xf32, #tpu.memory_space<vmem>>, vector<16xf32>,
      tpu.vector_store %arg9[%swap3A_621], %select_n3A_618 {strides = array<i32>} : memref<4608xf32, #tpu.memory_space<vmem>>, vector<16xf32>,
      %add3A_623 = arith.constant 2304 : i32
      %add3A_624 = arith.addi %add3A_623, %mul3A_72 : i32
      %get3A_625 = arith.index_cast %add3A_624 : i32 to index
      %get3A_626 = tpu.vector_load %arg8[%get3A_625] {strides = array<i32>} : memref<4608xi32, #tpu.memory_space<vmem>>, vector<16xi32>,
      %gather3A_627 = tpu.vector_load_idx %arg6[%get3A_626] : memref<384xf32, #tpu.memory_space<vmem>>[vector<16xi32>], vector<16xf32>,
      %gather3A_628 = tpu.vector_load_idx %arg7[%get3A_626] : memref<384xf32, #tpu.memory_space<vmem>>[vector<16xi32>], vector<16xf32>,
      %sub3A_629 = arith.subf %gather3A_36, %gather3A_627 : vector<16xf32>
      %add3A_630 = arith.constant 1.000000e+00 : f32
      %add3A_631 = vector.broadcast %add3A_630 : f32 to vector<16xf32>
      %add3A_632 = arith.addf %sub3A_629, %add3A_631 : vector<16xf32>
      %jit3A_633 = arith.constant 2.000000e+00 : f32
      %rem3A_634 = vector.broadcast %jit3A_633 : f32 to vector<16xf32>
      %rem3A_635 = arith.remf %add3A_632, %rem3A_634 : vector<16xf32>
      %ne3A_636 = arith.constant 0.000000e+00 : f32
      %ne3A_637 = vector.broadcast %ne3A_636 : f32 to vector<16xf32>
      %ne3A_638 = arith.cmpf one, %rem3A_635, %ne3A_637 : vector<16xf32>
      %lt3A_639 = arith.constant 0.000000e+00 : f32
      %lt3A_640 = vector.broadcast %lt3A_639 : f32 to vector<16xf32>
      %lt3A_641 = arith.cmpf olt, %rem3A_635, %lt3A_640 : vector<16xf32>
      %lt3A_642 = arith.constant 0.000000e+00 : f32
      %lt3A_643 = arith.cmpf olt, %jit3A_633, %lt3A_642 : f32
      %ne3A_644 = vector.broadcast %lt3A_643 : i1 to vector<16xi1>
      %ne3A_645 = vector.broadcast %ne3A_644 : vector<16xi1> to vector<16xi1>
      %ne3A_646 = arith.xori %lt3A_641, %ne3A_645 : vector<16xi1>
      %and3A_647 = arith.andi %ne3A_646, %ne3A_638 : vector<16xi1>
      %add3A_648 = vector.broadcast %jit3A_633 : f32 to vector<16xf32>
      %add3A_649 = arith.addf %rem3A_635, %add3A_648 : vector<16xf32>
      %select_n3A_650 = arith.select %and3A_647, %add3A_649, %rem3A_635 : vector<16xi1>, vector<16xf32>
      %sub3A_651 = arith.constant 1.000000e+00 : f32
      %sub3A_652 = vector.broadcast %sub3A_651 : f32 to vector<16xf32>
      %sub3A_653 = arith.subf %select_n3A_650, %sub3A_652 : vector<16xf32>
      %sub3A_654 = arith.subf %gather3A_37, %gather3A_628 : vector<16xf32>
      %add3A_655 = arith.constant 1.000000e+00 : f32
      %add3A_656 = vector.broadcast %add3A_655 : f32 to vector<16xf32>
      %add3A_657 = arith.addf %sub3A_654, %add3A_656 : vector<16xf32>
      %jit3A_658 = arith.constant 2.000000e+00 : f32
      %rem3A_659 = vector.broadcast %jit3A_658 : f32 to vector<16xf32>
      %rem3A_660 = arith.remf %add3A_657, %rem3A_659 : vector<16xf32>
      %ne3A_661 = arith.constant 0.000000e+00 : f32
      %ne3A_662 = vector.broadcast %ne3A_661 : f32 to vector<16xf32>
      %ne3A_663 = arith.cmpf one, %rem3A_660, %ne3A_662 : vector<16xf32>
      %lt3A_664 = arith.constant 0.000000e+00 : f32
      %lt3A_665 = vector.broadcast %lt3A_664 : f32 to vector<16xf32>
      %lt3A_666 = arith.cmpf olt, %rem3A_660, %lt3A_665 : vector<16xf32>
      %lt3A_667 = arith.constant 0.000000e+00 : f32
      %lt3A_668 = arith.cmpf olt, %jit3A_658, %lt3A_667 : f32
      %ne3A_669 = vector.broadcast %lt3A_668 : i1 to vector<16xi1>
      %ne3A_670 = vector.broadcast %ne3A_669 : vector<16xi1> to vector<16xi1>
      %ne3A_671 = arith.xori %lt3A_666, %ne3A_670 : vector<16xi1>
      %and3A_672 = arith.andi %ne3A_671, %ne3A_663 : vector<16xi1>
      %add3A_673 = vector.broadcast %jit3A_658 : f32 to vector<16xf32>
      %add3A_674 = arith.addf %rem3A_660, %add3A_673 : vector<16xf32>
      %select_n3A_675 = arith.select %and3A_672, %add3A_674, %rem3A_660 : vector<16xi1>, vector<16xf32>
      %sub3A_676 = arith.constant 1.000000e+00 : f32
      %sub3A_677 = vector.broadcast %sub3A_676 : f32 to vector<16xf32>
      %sub3A_678 = arith.subf %select_n3A_675, %sub3A_677 : vector<16xf32>
      %mul3A_679 = arith.mulf %sub3A_653, %sub3A_653 : vector<16xf32>
      %mul3A_680 = arith.mulf %sub3A_678, %sub3A_678 : vector<16xf32>
      %add3A_681 = arith.addf %mul3A_679, %mul3A_680 : vector<16xf32>
      %bitcast3A_682 = vector.bitcast %add3A_681 : vector<16xf32> to vector<16xi32>
      %shift_right_arithmetic3A_683 = arith.constant 1 : i32
      %shift_right_arithmetic3A_684 = vector.broadcast %shift_right_arithmetic3A_683 : i32 to vector<16xi32>
      %shift_right_arithmetic3A_685 = arith.shrsi %bitcast3A_682, %shift_right_arithmetic3A_684 : vector<16xi32>
      %add3A_686 = arith.constant 532487669 : i32
      %add3A_687 = vector.broadcast %add3A_686 : i32 to vector<16xi32>
      %add3A_688 = arith.addi %shift_right_arithmetic3A_685, %add3A_687 : vector<16xi32>
      %bitcast3A_689 = vector.bitcast %add3A_688 : vector<16xi32> to vector<16xf32>
      %div3A_690 = arith.divf %add3A_681, %bitcast3A_689 : vector<16xf32>
      %add3A_691 = arith.addf %bitcast3A_689, %div3A_690 : vector<16xf32>
      %mul3A_692 = arith.constant 5.000000e-01 : f32
      %mul3A_693 = vector.broadcast %mul3A_692 : f32 to vector<16xf32>
      %mul3A_694 = arith.mulf %mul3A_693, %add3A_691 : vector<16xf32>
      %div3A_695 = arith.divf %add3A_681, %mul3A_694 : vector<16xf32>
      %add3A_696 = arith.addf %mul3A_694, %div3A_695 : vector<16xf32>
      %mul3A_697 = arith.constant 5.000000e-01 : f32
      %mul3A_698 = vector.broadcast %mul3A_697 : f32 to vector<16xf32>
      %mul3A_699 = arith.mulf %mul3A_698, %add3A_696 : vector<16xf32>
      %div3A_700 = arith.divf %add3A_681, %mul3A_699 : vector<16xf32>
      %add3A_701 = arith.addf %mul3A_699, %div3A_700 : vector<16xf32>
      %mul3A_702 = arith.constant 5.000000e-01 : f32
      %mul3A_703 = vector.broadcast %mul3A_702 : f32 to vector<16xf32>
      %mul3A_704 = arith.mulf %mul3A_703, %add3A_701 : vector<16xf32>
      %mul3A_705 = arith.constant -2.000000e+00 : f32
      %mul3A_706 = vector.broadcast %mul3A_705 : f32 to vector<16xf32>
      %mul3A_707 = arith.mulf %mul3A_706, %mul3A_704 : vector<16xf32>
      %exp3A_708 = math.exp %mul3A_707 : vector<16xf32>
      %jit3A_709 = arith.constant 0.000000e+00 : f32
      %broadcast_in_dim3A_710 = vector.broadcast %jit3A_709 : f32 to vector<16xf32>
      %select_n3A_711 = arith.select %lt3A_76, %exp3A_708, %broadcast_in_dim3A_710 : vector<16xi1>, vector<16xf32>
      %add3A_712 = arith.constant 2304 : i32
      %add3A_713 = arith.addi %add3A_712, %mul3A_72 : i32
      %swap3A_714 = arith.index_cast %add3A_713 : i32 to index
      %swap3A_715 = tpu.vector_load %arg9[%swap3A_714] {strides = array<i32>} : memref<4608xf32, #tpu.memory_space<vmem>>, vector<16xf32>,
      tpu.vector_store %arg9[%swap3A_714], %select_n3A_711 {strides = array<i32>} : memref<4608xf32, #tpu.memory_space<vmem>>, vector<16xf32>,
      %add3A_716 = arith.constant 2688 : i32
      %add3A_717 = arith.addi %add3A_716, %mul3A_72 : i32
      %get3A_718 = arith.index_cast %add3A_717 : i32 to index
      %get3A_719 = tpu.vector_load %arg8[%get3A_718] {strides = array<i32>} : memref<4608xi32, #tpu.memory_space<vmem>>, vector<16xi32>,
      %gather3A_720 = tpu.vector_load_idx %arg6[%get3A_719] : memref<384xf32, #tpu.memory_space<vmem>>[vector<16xi32>], vector<16xf32>,
      %gather3A_721 = tpu.vector_load_idx %arg7[%get3A_719] : memref<384xf32, #tpu.memory_space<vmem>>[vector<16xi32>], vector<16xf32>,
      %sub3A_722 = arith.subf %gather3A_41, %gather3A_720 : vector<16xf32>
      %add3A_723 = arith.constant 1.000000e+00 : f32
      %add3A_724 = vector.broadcast %add3A_723 : f32 to vector<16xf32>
      %add3A_725 = arith.addf %sub3A_722, %add3A_724 : vector<16xf32>
      %jit3A_726 = arith.constant 2.000000e+00 : f32
      %rem3A_727 = vector.broadcast %jit3A_726 : f32 to vector<16xf32>
      %rem3A_728 = arith.remf %add3A_725, %rem3A_727 : vector<16xf32>
      %ne3A_729 = arith.constant 0.000000e+00 : f32
      %ne3A_730 = vector.broadcast %ne3A_729 : f32 to vector<16xf32>
      %ne3A_731 = arith.cmpf one, %rem3A_728, %ne3A_730 : vector<16xf32>
      %lt3A_732 = arith.constant 0.000000e+00 : f32
      %lt3A_733 = vector.broadcast %lt3A_732 : f32 to vector<16xf32>
      %lt3A_734 = arith.cmpf olt, %rem3A_728, %lt3A_733 : vector<16xf32>
      %lt3A_735 = arith.constant 0.000000e+00 : f32
      %lt3A_736 = arith.cmpf olt, %jit3A_726, %lt3A_735 : f32
      %ne3A_737 = vector.broadcast %lt3A_736 : i1 to vector<16xi1>
      %ne3A_738 = vector.broadcast %ne3A_737 : vector<16xi1> to vector<16xi1>
      %ne3A_739 = arith.xori %lt3A_734, %ne3A_738 : vector<16xi1>
      %and3A_740 = arith.andi %ne3A_739, %ne3A_731 : vector<16xi1>
      %add3A_741 = vector.broadcast %jit3A_726 : f32 to vector<16xf32>
      %add3A_742 = arith.addf %rem3A_728, %add3A_741 : vector<16xf32>
      %select_n3A_743 = arith.select %and3A_740, %add3A_742, %rem3A_728 : vector<16xi1>, vector<16xf32>
      %sub3A_744 = arith.constant 1.000000e+00 : f32
      %sub3A_745 = vector.broadcast %sub3A_744 : f32 to vector<16xf32>
      %sub3A_746 = arith.subf %select_n3A_743, %sub3A_745 : vector<16xf32>
      %sub3A_747 = arith.subf %gather3A_42, %gather3A_721 : vector<16xf32>
      %add3A_748 = arith.constant 1.000000e+00 : f32
      %add3A_749 = vector.broadcast %add3A_748 : f32 to vector<16xf32>
      %add3A_750 = arith.addf %sub3A_747, %add3A_749 : vector<16xf32>
      %jit3A_751 = arith.constant 2.000000e+00 : f32
      %rem3A_752 = vector.broadcast %jit3A_751 : f32 to vector<16xf32>
      %rem3A_753 = arith.remf %add3A_750, %rem3A_752 : vector<16xf32>
      %ne3A_754 = arith.constant 0.000000e+00 : f32
      %ne3A_755 = vector.broadcast %ne3A_754 : f32 to vector<16xf32>
      %ne3A_756 = arith.cmpf one, %rem3A_753, %ne3A_755 : vector<16xf32>
      %lt3A_757 = arith.constant 0.000000e+00 : f32
      %lt3A_758 = vector.broadcast %lt3A_757 : f32 to vector<16xf32>
      %lt3A_759 = arith.cmpf olt, %rem3A_753, %lt3A_758 : vector<16xf32>
      %lt3A_760 = arith.constant 0.000000e+00 : f32
      %lt3A_761 = arith.cmpf olt, %jit3A_751, %lt3A_760 : f32
      %ne3A_762 = vector.broadcast %lt3A_761 : i1 to vector<16xi1>
      %ne3A_763 = vector.broadcast %ne3A_762 : vector<16xi1> to vector<16xi1>
      %ne3A_764 = arith.xori %lt3A_759, %ne3A_763 : vector<16xi1>
      %and3A_765 = arith.andi %ne3A_764, %ne3A_756 : vector<16xi1>
      %add3A_766 = vector.broadcast %jit3A_751 : f32 to vector<16xf32>
      %add3A_767 = arith.addf %rem3A_753, %add3A_766 : vector<16xf32>
      %select_n3A_768 = arith.select %and3A_765, %add3A_767, %rem3A_753 : vector<16xi1>, vector<16xf32>
      %sub3A_769 = arith.constant 1.000000e+00 : f32
      %sub3A_770 = vector.broadcast %sub3A_769 : f32 to vector<16xf32>
      %sub3A_771 = arith.subf %select_n3A_768, %sub3A_770 : vector<16xf32>
      %mul3A_772 = arith.mulf %sub3A_746, %sub3A_746 : vector<16xf32>
      %mul3A_773 = arith.mulf %sub3A_771, %sub3A_771 : vector<16xf32>
      %add3A_774 = arith.addf %mul3A_772, %mul3A_773 : vector<16xf32>
      %bitcast3A_775 = vector.bitcast %add3A_774 : vector<16xf32> to vector<16xi32>
      %shift_right_arithmetic3A_776 = arith.constant 1 : i32
      %shift_right_arithmetic3A_777 = vector.broadcast %shift_right_arithmetic3A_776 : i32 to vector<16xi32>
      %shift_right_arithmetic3A_778 = arith.shrsi %bitcast3A_775, %shift_right_arithmetic3A_777 : vector<16xi32>
      %add3A_779 = arith.constant 532487669 : i32
      %add3A_780 = vector.broadcast %add3A_779 : i32 to vector<16xi32>
      %add3A_781 = arith.addi %shift_right_arithmetic3A_778, %add3A_780 : vector<16xi32>
      %bitcast3A_782 = vector.bitcast %add3A_781 : vector<16xi32> to vector<16xf32>
      %div3A_783 = arith.divf %add3A_774, %bitcast3A_782 : vector<16xf32>
      %add3A_784 = arith.addf %bitcast3A_782, %div3A_783 : vector<16xf32>
      %mul3A_785 = arith.constant 5.000000e-01 : f32
      %mul3A_786 = vector.broadcast %mul3A_785 : f32 to vector<16xf32>
      %mul3A_787 = arith.mulf %mul3A_786, %add3A_784 : vector<16xf32>
      %div3A_788 = arith.divf %add3A_774, %mul3A_787 : vector<16xf32>
      %add3A_789 = arith.addf %mul3A_787, %div3A_788 : vector<16xf32>
      %mul3A_790 = arith.constant 5.000000e-01 : f32
      %mul3A_791 = vector.broadcast %mul3A_790 : f32 to vector<16xf32>
      %mul3A_792 = arith.mulf %mul3A_791, %add3A_789 : vector<16xf32>
      %div3A_793 = arith.divf %add3A_774, %mul3A_792 : vector<16xf32>
      %add3A_794 = arith.addf %mul3A_792, %div3A_793 : vector<16xf32>
      %mul3A_795 = arith.constant 5.000000e-01 : f32
      %mul3A_796 = vector.broadcast %mul3A_795 : f32 to vector<16xf32>
      %mul3A_797 = arith.mulf %mul3A_796, %add3A_794 : vector<16xf32>
      %mul3A_798 = arith.constant -2.000000e+00 : f32
      %mul3A_799 = vector.broadcast %mul3A_798 : f32 to vector<16xf32>
      %mul3A_800 = arith.mulf %mul3A_799, %mul3A_797 : vector<16xf32>
      %exp3A_801 = math.exp %mul3A_800 : vector<16xf32>
      %jit3A_802 = arith.constant 0.000000e+00 : f32
      %broadcast_in_dim3A_803 = vector.broadcast %jit3A_802 : f32 to vector<16xf32>
      %select_n3A_804 = arith.select %lt3A_76, %exp3A_801, %broadcast_in_dim3A_803 : vector<16xi1>, vector<16xf32>
      %add3A_805 = arith.constant 2688 : i32
      %add3A_806 = arith.addi %add3A_805, %mul3A_72 : i32
      %swap3A_807 = arith.index_cast %add3A_806 : i32 to index
      %swap3A_808 = tpu.vector_load %arg9[%swap3A_807] {strides = array<i32>} : memref<4608xf32, #tpu.memory_space<vmem>>, vector<16xf32>,
      tpu.vector_store %arg9[%swap3A_807], %select_n3A_804 {strides = array<i32>} : memref<4608xf32, #tpu.memory_space<vmem>>, vector<16xf32>,
      %add3A_809 = arith.constant 3072 : i32
      %add3A_810 = arith.addi %add3A_809, %mul3A_72 : i32
      %get3A_811 = arith.index_cast %add3A_810 : i32 to index
      %get3A_812 = tpu.vector_load %arg8[%get3A_811] {strides = array<i32>} : memref<4608xi32, #tpu.memory_space<vmem>>, vector<16xi32>,
      %gather3A_813 = tpu.vector_load_idx %arg6[%get3A_812] : memref<384xf32, #tpu.memory_space<vmem>>[vector<16xi32>], vector<16xf32>,
      %gather3A_814 = tpu.vector_load_idx %arg7[%get3A_812] : memref<384xf32, #tpu.memory_space<vmem>>[vector<16xi32>], vector<16xf32>,
      %sub3A_815 = arith.subf %gather3A_46, %gather3A_813 : vector<16xf32>
      %add3A_816 = arith.constant 1.000000e+00 : f32
      %add3A_817 = vector.broadcast %add3A_816 : f32 to vector<16xf32>
      %add3A_818 = arith.addf %sub3A_815, %add3A_817 : vector<16xf32>
      %jit3A_819 = arith.constant 2.000000e+00 : f32
      %rem3A_820 = vector.broadcast %jit3A_819 : f32 to vector<16xf32>
      %rem3A_821 = arith.remf %add3A_818, %rem3A_820 : vector<16xf32>
      %ne3A_822 = arith.constant 0.000000e+00 : f32
      %ne3A_823 = vector.broadcast %ne3A_822 : f32 to vector<16xf32>
      %ne3A_824 = arith.cmpf one, %rem3A_821, %ne3A_823 : vector<16xf32>
      %lt3A_825 = arith.constant 0.000000e+00 : f32
      %lt3A_826 = vector.broadcast %lt3A_825 : f32 to vector<16xf32>
      %lt3A_827 = arith.cmpf olt, %rem3A_821, %lt3A_826 : vector<16xf32>
      %lt3A_828 = arith.constant 0.000000e+00 : f32
      %lt3A_829 = arith.cmpf olt, %jit3A_819, %lt3A_828 : f32
      %ne3A_830 = vector.broadcast %lt3A_829 : i1 to vector<16xi1>
      %ne3A_831 = vector.broadcast %ne3A_830 : vector<16xi1> to vector<16xi1>
      %ne3A_832 = arith.xori %lt3A_827, %ne3A_831 : vector<16xi1>
      %and3A_833 = arith.andi %ne3A_832, %ne3A_824 : vector<16xi1>
      %add3A_834 = vector.broadcast %jit3A_819 : f32 to vector<16xf32>
      %add3A_835 = arith.addf %rem3A_821, %add3A_834 : vector<16xf32>
      %select_n3A_836 = arith.select %and3A_833, %add3A_835, %rem3A_821 : vector<16xi1>, vector<16xf32>
      %sub3A_837 = arith.constant 1.000000e+00 : f32
      %sub3A_838 = vector.broadcast %sub3A_837 : f32 to vector<16xf32>
      %sub3A_839 = arith.subf %select_n3A_836, %sub3A_838 : vector<16xf32>
      %sub3A_840 = arith.subf %gather3A_47, %gather3A_814 : vector<16xf32>
      %add3A_841 = arith.constant 1.000000e+00 : f32
      %add3A_842 = vector.broadcast %add3A_841 : f32 to vector<16xf32>
      %add3A_843 = arith.addf %sub3A_840, %add3A_842 : vector<16xf32>
      %jit3A_844 = arith.constant 2.000000e+00 : f32
      %rem3A_845 = vector.broadcast %jit3A_844 : f32 to vector<16xf32>
      %rem3A_846 = arith.remf %add3A_843, %rem3A_845 : vector<16xf32>
      %ne3A_847 = arith.constant 0.000000e+00 : f32
      %ne3A_848 = vector.broadcast %ne3A_847 : f32 to vector<16xf32>
      %ne3A_849 = arith.cmpf one, %rem3A_846, %ne3A_848 : vector<16xf32>
      %lt3A_850 = arith.constant 0.000000e+00 : f32
      %lt3A_851 = vector.broadcast %lt3A_850 : f32 to vector<16xf32>
      %lt3A_852 = arith.cmpf olt, %rem3A_846, %lt3A_851 : vector<16xf32>
      %lt3A_853 = arith.constant 0.000000e+00 : f32
      %lt3A_854 = arith.cmpf olt, %jit3A_844, %lt3A_853 : f32
      %ne3A_855 = vector.broadcast %lt3A_854 : i1 to vector<16xi1>
      %ne3A_856 = vector.broadcast %ne3A_855 : vector<16xi1> to vector<16xi1>
      %ne3A_857 = arith.xori %lt3A_852, %ne3A_856 : vector<16xi1>
      %and3A_858 = arith.andi %ne3A_857, %ne3A_849 : vector<16xi1>
      %add3A_859 = vector.broadcast %jit3A_844 : f32 to vector<16xf32>
      %add3A_860 = arith.addf %rem3A_846, %add3A_859 : vector<16xf32>
      %select_n3A_861 = arith.select %and3A_858, %add3A_860, %rem3A_846 : vector<16xi1>, vector<16xf32>
      %sub3A_862 = arith.constant 1.000000e+00 : f32
      %sub3A_863 = vector.broadcast %sub3A_862 : f32 to vector<16xf32>
      %sub3A_864 = arith.subf %select_n3A_861, %sub3A_863 : vector<16xf32>
      %mul3A_865 = arith.mulf %sub3A_839, %sub3A_839 : vector<16xf32>
      %mul3A_866 = arith.mulf %sub3A_864, %sub3A_864 : vector<16xf32>
      %add3A_867 = arith.addf %mul3A_865, %mul3A_866 : vector<16xf32>
      %bitcast3A_868 = vector.bitcast %add3A_867 : vector<16xf32> to vector<16xi32>
      %shift_right_arithmetic3A_869 = arith.constant 1 : i32
      %shift_right_arithmetic3A_870 = vector.broadcast %shift_right_arithmetic3A_869 : i32 to vector<16xi32>
      %shift_right_arithmetic3A_871 = arith.shrsi %bitcast3A_868, %shift_right_arithmetic3A_870 : vector<16xi32>
      %add3A_872 = arith.constant 532487669 : i32
      %add3A_873 = vector.broadcast %add3A_872 : i32 to vector<16xi32>
      %add3A_874 = arith.addi %shift_right_arithmetic3A_871, %add3A_873 : vector<16xi32>
      %bitcast3A_875 = vector.bitcast %add3A_874 : vector<16xi32> to vector<16xf32>
      %div3A_876 = arith.divf %add3A_867, %bitcast3A_875 : vector<16xf32>
      %add3A_877 = arith.addf %bitcast3A_875, %div3A_876 : vector<16xf32>
      %mul3A_878 = arith.constant 5.000000e-01 : f32
      %mul3A_879 = vector.broadcast %mul3A_878 : f32 to vector<16xf32>
      %mul3A_880 = arith.mulf %mul3A_879, %add3A_877 : vector<16xf32>
      %div3A_881 = arith.divf %add3A_867, %mul3A_880 : vector<16xf32>
      %add3A_882 = arith.addf %mul3A_880, %div3A_881 : vector<16xf32>
      %mul3A_883 = arith.constant 5.000000e-01 : f32
      %mul3A_884 = vector.broadcast %mul3A_883 : f32 to vector<16xf32>
      %mul3A_885 = arith.mulf %mul3A_884, %add3A_882 : vector<16xf32>
      %div3A_886 = arith.divf %add3A_867, %mul3A_885 : vector<16xf32>
      %add3A_887 = arith.addf %mul3A_885, %div3A_886 : vector<16xf32>
      %mul3A_888 = arith.constant 5.000000e-01 : f32
      %mul3A_889 = vector.broadcast %mul3A_888 : f32 to vector<16xf32>
      %mul3A_890 = arith.mulf %mul3A_889, %add3A_887 : vector<16xf32>
      %mul3A_891 = arith.constant -2.000000e+00 : f32
      %mul3A_892 = vector.broadcast %mul3A_891 : f32 to vector<16xf32>
      %mul3A_893 = arith.mulf %mul3A_892, %mul3A_890 : vector<16xf32>
      %exp3A_894 = math.exp %mul3A_893 : vector<16xf32>
      %jit3A_895 = arith.constant 0.000000e+00 : f32
      %broadcast_in_dim3A_896 = vector.broadcast %jit3A_895 : f32 to vector<16xf32>
      %select_n3A_897 = arith.select %lt3A_76, %exp3A_894, %broadcast_in_dim3A_896 : vector<16xi1>, vector<16xf32>
      %add3A_898 = arith.constant 3072 : i32
      %add3A_899 = arith.addi %add3A_898, %mul3A_72 : i32
      %swap3A_900 = arith.index_cast %add3A_899 : i32 to index
      %swap3A_901 = tpu.vector_load %arg9[%swap3A_900] {strides = array<i32>} : memref<4608xf32, #tpu.memory_space<vmem>>, vector<16xf32>,
      tpu.vector_store %arg9[%swap3A_900], %select_n3A_897 {strides = array<i32>} : memref<4608xf32, #tpu.memory_space<vmem>>, vector<16xf32>,
      %add3A_902 = arith.constant 3456 : i32
      %add3A_903 = arith.addi %add3A_902, %mul3A_72 : i32
      %get3A_904 = arith.index_cast %add3A_903 : i32 to index
      %get3A_905 = tpu.vector_load %arg8[%get3A_904] {strides = array<i32>} : memref<4608xi32, #tpu.memory_space<vmem>>, vector<16xi32>,
      %gather3A_906 = tpu.vector_load_idx %arg6[%get3A_905] : memref<384xf32, #tpu.memory_space<vmem>>[vector<16xi32>], vector<16xf32>,
      %gather3A_907 = tpu.vector_load_idx %arg7[%get3A_905] : memref<384xf32, #tpu.memory_space<vmem>>[vector<16xi32>], vector<16xf32>,
      %sub3A_908 = arith.subf %gather3A_51, %gather3A_906 : vector<16xf32>
      %add3A_909 = arith.constant 1.000000e+00 : f32
      %add3A_910 = vector.broadcast %add3A_909 : f32 to vector<16xf32>
      %add3A_911 = arith.addf %sub3A_908, %add3A_910 : vector<16xf32>
      %jit3A_912 = arith.constant 2.000000e+00 : f32
      %rem3A_913 = vector.broadcast %jit3A_912 : f32 to vector<16xf32>
      %rem3A_914 = arith.remf %add3A_911, %rem3A_913 : vector<16xf32>
      %ne3A_915 = arith.constant 0.000000e+00 : f32
      %ne3A_916 = vector.broadcast %ne3A_915 : f32 to vector<16xf32>
      %ne3A_917 = arith.cmpf one, %rem3A_914, %ne3A_916 : vector<16xf32>
      %lt3A_918 = arith.constant 0.000000e+00 : f32
      %lt3A_919 = vector.broadcast %lt3A_918 : f32 to vector<16xf32>
      %lt3A_920 = arith.cmpf olt, %rem3A_914, %lt3A_919 : vector<16xf32>
      %lt3A_921 = arith.constant 0.000000e+00 : f32
      %lt3A_922 = arith.cmpf olt, %jit3A_912, %lt3A_921 : f32
      %ne3A_923 = vector.broadcast %lt3A_922 : i1 to vector<16xi1>
      %ne3A_924 = vector.broadcast %ne3A_923 : vector<16xi1> to vector<16xi1>
      %ne3A_925 = arith.xori %lt3A_920, %ne3A_924 : vector<16xi1>
      %and3A_926 = arith.andi %ne3A_925, %ne3A_917 : vector<16xi1>
      %add3A_927 = vector.broadcast %jit3A_912 : f32 to vector<16xf32>
      %add3A_928 = arith.addf %rem3A_914, %add3A_927 : vector<16xf32>
      %select_n3A_929 = arith.select %and3A_926, %add3A_928, %rem3A_914 : vector<16xi1>, vector<16xf32>
      %sub3A_930 = arith.constant 1.000000e+00 : f32
      %sub3A_931 = vector.broadcast %sub3A_930 : f32 to vector<16xf32>
      %sub3A_932 = arith.subf %select_n3A_929, %sub3A_931 : vector<16xf32>
      %sub3A_933 = arith.subf %gather3A_52, %gather3A_907 : vector<16xf32>
      %add3A_934 = arith.constant 1.000000e+00 : f32
      %add3A_935 = vector.broadcast %add3A_934 : f32 to vector<16xf32>
      %add3A_936 = arith.addf %sub3A_933, %add3A_935 : vector<16xf32>
      %jit3A_937 = arith.constant 2.000000e+00 : f32
      %rem3A_938 = vector.broadcast %jit3A_937 : f32 to vector<16xf32>
      %rem3A_939 = arith.remf %add3A_936, %rem3A_938 : vector<16xf32>
      %ne3A_940 = arith.constant 0.000000e+00 : f32
      %ne3A_941 = vector.broadcast %ne3A_940 : f32 to vector<16xf32>
      %ne3A_942 = arith.cmpf one, %rem3A_939, %ne3A_941 : vector<16xf32>
      %lt3A_943 = arith.constant 0.000000e+00 : f32
      %lt3A_944 = vector.broadcast %lt3A_943 : f32 to vector<16xf32>
      %lt3A_945 = arith.cmpf olt, %rem3A_939, %lt3A_944 : vector<16xf32>
      %lt3A_946 = arith.constant 0.000000e+00 : f32
      %lt3A_947 = arith.cmpf olt, %jit3A_937, %lt3A_946 : f32
      %ne3A_948 = vector.broadcast %lt3A_947 : i1 to vector<16xi1>
      %ne3A_949 = vector.broadcast %ne3A_948 : vector<16xi1> to vector<16xi1>
      %ne3A_950 = arith.xori %lt3A_945, %ne3A_949 : vector<16xi1>
      %and3A_951 = arith.andi %ne3A_950, %ne3A_942 : vector<16xi1>
      %add3A_952 = vector.broadcast %jit3A_937 : f32 to vector<16xf32>
      %add3A_953 = arith.addf %rem3A_939, %add3A_952 : vector<16xf32>
      %select_n3A_954 = arith.select %and3A_951, %add3A_953, %rem3A_939 : vector<16xi1>, vector<16xf32>
      %sub3A_955 = arith.constant 1.000000e+00 : f32
      %sub3A_956 = vector.broadcast %sub3A_955 : f32 to vector<16xf32>
      %sub3A_957 = arith.subf %select_n3A_954, %sub3A_956 : vector<16xf32>
      %mul3A_958 = arith.mulf %sub3A_932, %sub3A_932 : vector<16xf32>
      %mul3A_959 = arith.mulf %sub3A_957, %sub3A_957 : vector<16xf32>
      %add3A_960 = arith.addf %mul3A_958, %mul3A_959 : vector<16xf32>
      %bitcast3A_961 = vector.bitcast %add3A_960 : vector<16xf32> to vector<16xi32>
      %shift_right_arithmetic3A_962 = arith.constant 1 : i32
      %shift_right_arithmetic3A_963 = vector.broadcast %shift_right_arithmetic3A_962 : i32 to vector<16xi32>
      %shift_right_arithmetic3A_964 = arith.shrsi %bitcast3A_961, %shift_right_arithmetic3A_963 : vector<16xi32>
      %add3A_965 = arith.constant 532487669 : i32
      %add3A_966 = vector.broadcast %add3A_965 : i32 to vector<16xi32>
      %add3A_967 = arith.addi %shift_right_arithmetic3A_964, %add3A_966 : vector<16xi32>
      %bitcast3A_968 = vector.bitcast %add3A_967 : vector<16xi32> to vector<16xf32>
      %div3A_969 = arith.divf %add3A_960, %bitcast3A_968 : vector<16xf32>
      %add3A_970 = arith.addf %bitcast3A_968, %div3A_969 : vector<16xf32>
      %mul3A_971 = arith.constant 5.000000e-01 : f32
      %mul3A_972 = vector.broadcast %mul3A_971 : f32 to vector<16xf32>
      %mul3A_973 = arith.mulf %mul3A_972, %add3A_970 : vector<16xf32>
      %div3A_974 = arith.divf %add3A_960, %mul3A_973 : vector<16xf32>
      %add3A_975 = arith.addf %mul3A_973, %div3A_974 : vector<16xf32>
      %mul3A_976 = arith.constant 5.000000e-01 : f32
      %mul3A_977 = vector.broadcast %mul3A_976 : f32 to vector<16xf32>
      %mul3A_978 = arith.mulf %mul3A_977, %add3A_975 : vector<16xf32>
      %div3A_979 = arith.divf %add3A_960, %mul3A_978 : vector<16xf32>
      %add3A_980 = arith.addf %mul3A_978, %div3A_979 : vector<16xf32>
      %mul3A_981 = arith.constant 5.000000e-01 : f32
      %mul3A_982 = vector.broadcast %mul3A_981 : f32 to vector<16xf32>
      %mul3A_983 = arith.mulf %mul3A_982, %add3A_980 : vector<16xf32>
      %mul3A_984 = arith.constant -2.000000e+00 : f32
      %mul3A_985 = vector.broadcast %mul3A_984 : f32 to vector<16xf32>
      %mul3A_986 = arith.mulf %mul3A_985, %mul3A_983 : vector<16xf32>
      %exp3A_987 = math.exp %mul3A_986 : vector<16xf32>
      %jit3A_988 = arith.constant 0.000000e+00 : f32
      %broadcast_in_dim3A_989 = vector.broadcast %jit3A_988 : f32 to vector<16xf32>
      %select_n3A_990 = arith.select %lt3A_76, %exp3A_987, %broadcast_in_dim3A_989 : vector<16xi1>, vector<16xf32>
      %add3A_991 = arith.constant 3456 : i32
      %add3A_992 = arith.addi %add3A_991, %mul3A_72 : i32
      %swap3A_993 = arith.index_cast %add3A_992 : i32 to index
      %swap3A_994 = tpu.vector_load %arg9[%swap3A_993] {strides = array<i32>} : memref<4608xf32, #tpu.memory_space<vmem>>, vector<16xf32>,
      tpu.vector_store %arg9[%swap3A_993], %select_n3A_990 {strides = array<i32>} : memref<4608xf32, #tpu.memory_space<vmem>>, vector<16xf32>,
      %add3A_995 = arith.constant 3840 : i32
      %add3A_996 = arith.addi %add3A_995, %mul3A_72 : i32
      %get3A_997 = arith.index_cast %add3A_996 : i32 to index
      %get3A_998 = tpu.vector_load %arg8[%get3A_997] {strides = array<i32>} : memref<4608xi32, #tpu.memory_space<vmem>>, vector<16xi32>,
      %gather3A_999 = tpu.vector_load_idx %arg6[%get3A_998] : memref<384xf32, #tpu.memory_space<vmem>>[vector<16xi32>], vector<16xf32>,
      %gather3A_1000 = tpu.vector_load_idx %arg7[%get3A_998] : memref<384xf32, #tpu.memory_space<vmem>>[vector<16xi32>], vector<16xf32>,
      %sub3A_1001 = arith.subf %gather3A_56, %gather3A_999 : vector<16xf32>
      %add3A_1002 = arith.constant 1.000000e+00 : f32
      %add3A_1003 = vector.broadcast %add3A_1002 : f32 to vector<16xf32>
      %add3A_1004 = arith.addf %sub3A_1001, %add3A_1003 : vector<16xf32>
      %jit3A_1005 = arith.constant 2.000000e+00 : f32
      %rem3A_1006 = vector.broadcast %jit3A_1005 : f32 to vector<16xf32>
      %rem3A_1007 = arith.remf %add3A_1004, %rem3A_1006 : vector<16xf32>
      %ne3A_1008 = arith.constant 0.000000e+00 : f32
      %ne3A_1009 = vector.broadcast %ne3A_1008 : f32 to vector<16xf32>
      %ne3A_1010 = arith.cmpf one, %rem3A_1007, %ne3A_1009 : vector<16xf32>
      %lt3A_1011 = arith.constant 0.000000e+00 : f32
      %lt3A_1012 = vector.broadcast %lt3A_1011 : f32 to vector<16xf32>
      %lt3A_1013 = arith.cmpf olt, %rem3A_1007, %lt3A_1012 : vector<16xf32>
      %lt3A_1014 = arith.constant 0.000000e+00 : f32
      %lt3A_1015 = arith.cmpf olt, %jit3A_1005, %lt3A_1014 : f32
      %ne3A_1016 = vector.broadcast %lt3A_1015 : i1 to vector<16xi1>
      %ne3A_1017 = vector.broadcast %ne3A_1016 : vector<16xi1> to vector<16xi1>
      %ne3A_1018 = arith.xori %lt3A_1013, %ne3A_1017 : vector<16xi1>
      %and3A_1019 = arith.andi %ne3A_1018, %ne3A_1010 : vector<16xi1>
      %add3A_1020 = vector.broadcast %jit3A_1005 : f32 to vector<16xf32>
      %add3A_1021 = arith.addf %rem3A_1007, %add3A_1020 : vector<16xf32>
      %select_n3A_1022 = arith.select %and3A_1019, %add3A_1021, %rem3A_1007 : vector<16xi1>, vector<16xf32>
      %sub3A_1023 = arith.constant 1.000000e+00 : f32
      %sub3A_1024 = vector.broadcast %sub3A_1023 : f32 to vector<16xf32>
      %sub3A_1025 = arith.subf %select_n3A_1022, %sub3A_1024 : vector<16xf32>
      %sub3A_1026 = arith.subf %gather3A_57, %gather3A_1000 : vector<16xf32>
      %add3A_1027 = arith.constant 1.000000e+00 : f32
      %add3A_1028 = vector.broadcast %add3A_1027 : f32 to vector<16xf32>
      %add3A_1029 = arith.addf %sub3A_1026, %add3A_1028 : vector<16xf32>
      %jit3A_1030 = arith.constant 2.000000e+00 : f32
      %rem3A_1031 = vector.broadcast %jit3A_1030 : f32 to vector<16xf32>
      %rem3A_1032 = arith.remf %add3A_1029, %rem3A_1031 : vector<16xf32>
      %ne3A_1033 = arith.constant 0.000000e+00 : f32
      %ne3A_1034 = vector.broadcast %ne3A_1033 : f32 to vector<16xf32>
      %ne3A_1035 = arith.cmpf one, %rem3A_1032, %ne3A_1034 : vector<16xf32>
      %lt3A_1036 = arith.constant 0.000000e+00 : f32
      %lt3A_1037 = vector.broadcast %lt3A_1036 : f32 to vector<16xf32>
      %lt3A_1038 = arith.cmpf olt, %rem3A_1032, %lt3A_1037 : vector<16xf32>
      %lt3A_1039 = arith.constant 0.000000e+00 : f32
      %lt3A_1040 = arith.cmpf olt, %jit3A_1030, %lt3A_1039 : f32
      %ne3A_1041 = vector.broadcast %lt3A_1040 : i1 to vector<16xi1>
      %ne3A_1042 = vector.broadcast %ne3A_1041 : vector<16xi1> to vector<16xi1>
      %ne3A_1043 = arith.xori %lt3A_1038, %ne3A_1042 : vector<16xi1>
      %and3A_1044 = arith.andi %ne3A_1043, %ne3A_1035 : vector<16xi1>
      %add3A_1045 = vector.broadcast %jit3A_1030 : f32 to vector<16xf32>
      %add3A_1046 = arith.addf %rem3A_1032, %add3A_1045 : vector<16xf32>
      %select_n3A_1047 = arith.select %and3A_1044, %add3A_1046, %rem3A_1032 : vector<16xi1>, vector<16xf32>
      %sub3A_1048 = arith.constant 1.000000e+00 : f32
      %sub3A_1049 = vector.broadcast %sub3A_1048 : f32 to vector<16xf32>
      %sub3A_1050 = arith.subf %select_n3A_1047, %sub3A_1049 : vector<16xf32>
      %mul3A_1051 = arith.mulf %sub3A_1025, %sub3A_1025 : vector<16xf32>
      %mul3A_1052 = arith.mulf %sub3A_1050, %sub3A_1050 : vector<16xf32>
      %add3A_1053 = arith.addf %mul3A_1051, %mul3A_1052 : vector<16xf32>
      %bitcast3A_1054 = vector.bitcast %add3A_1053 : vector<16xf32> to vector<16xi32>
      %shift_right_arithmetic3A_1055 = arith.constant 1 : i32
      %shift_right_arithmetic3A_1056 = vector.broadcast %shift_right_arithmetic3A_1055 : i32 to vector<16xi32>
      %shift_right_arithmetic3A_1057 = arith.shrsi %bitcast3A_1054, %shift_right_arithmetic3A_1056 : vector<16xi32>
      %add3A_1058 = arith.constant 532487669 : i32
      %add3A_1059 = vector.broadcast %add3A_1058 : i32 to vector<16xi32>
      %add3A_1060 = arith.addi %shift_right_arithmetic3A_1057, %add3A_1059 : vector<16xi32>
      %bitcast3A_1061 = vector.bitcast %add3A_1060 : vector<16xi32> to vector<16xf32>
      %div3A_1062 = arith.divf %add3A_1053, %bitcast3A_1061 : vector<16xf32>
      %add3A_1063 = arith.addf %bitcast3A_1061, %div3A_1062 : vector<16xf32>
      %mul3A_1064 = arith.constant 5.000000e-01 : f32
      %mul3A_1065 = vector.broadcast %mul3A_1064 : f32 to vector<16xf32>
      %mul3A_1066 = arith.mulf %mul3A_1065, %add3A_1063 : vector<16xf32>
      %div3A_1067 = arith.divf %add3A_1053, %mul3A_1066 : vector<16xf32>
      %add3A_1068 = arith.addf %mul3A_1066, %div3A_1067 : vector<16xf32>
      %mul3A_1069 = arith.constant 5.000000e-01 : f32
      %mul3A_1070 = vector.broadcast %mul3A_1069 : f32 to vector<16xf32>
      %mul3A_1071 = arith.mulf %mul3A_1070, %add3A_1068 : vector<16xf32>
      %div3A_1072 = arith.divf %add3A_1053, %mul3A_1071 : vector<16xf32>
      %add3A_1073 = arith.addf %mul3A_1071, %div3A_1072 : vector<16xf32>
      %mul3A_1074 = arith.constant 5.000000e-01 : f32
      %mul3A_1075 = vector.broadcast %mul3A_1074 : f32 to vector<16xf32>
      %mul3A_1076 = arith.mulf %mul3A_1075, %add3A_1073 : vector<16xf32>
      %mul3A_1077 = arith.constant -2.000000e+00 : f32
      %mul3A_1078 = vector.broadcast %mul3A_1077 : f32 to vector<16xf32>
      %mul3A_1079 = arith.mulf %mul3A_1078, %mul3A_1076 : vector<16xf32>
      %exp3A_1080 = math.exp %mul3A_1079 : vector<16xf32>
      %jit3A_1081 = arith.constant 0.000000e+00 : f32
      %broadcast_in_dim3A_1082 = vector.broadcast %jit3A_1081 : f32 to vector<16xf32>
      %select_n3A_1083 = arith.select %lt3A_76, %exp3A_1080, %broadcast_in_dim3A_1082 : vector<16xi1>, vector<16xf32>
      %add3A_1084 = arith.constant 3840 : i32
      %add3A_1085 = arith.addi %add3A_1084, %mul3A_72 : i32
      %swap3A_1086 = arith.index_cast %add3A_1085 : i32 to index
      %swap3A_1087 = tpu.vector_load %arg9[%swap3A_1086] {strides = array<i32>} : memref<4608xf32, #tpu.memory_space<vmem>>, vector<16xf32>,
      tpu.vector_store %arg9[%swap3A_1086], %select_n3A_1083 {strides = array<i32>} : memref<4608xf32, #tpu.memory_space<vmem>>, vector<16xf32>,
      %add3A_1088 = arith.constant 4224 : i32
      %add3A_1089 = arith.addi %add3A_1088, %mul3A_72 : i32
      %get3A_1090 = arith.index_cast %add3A_1089 : i32 to index
      %get3A_1091 = tpu.vector_load %arg8[%get3A_1090] {strides = array<i32>} : memref<4608xi32, #tpu.memory_space<vmem>>, vector<16xi32>,
      %gather3A_1092 = tpu.vector_load_idx %arg6[%get3A_1091] : memref<384xf32, #tpu.memory_space<vmem>>[vector<16xi32>], vector<16xf32>,
      %gather3A_1093 = tpu.vector_load_idx %arg7[%get3A_1091] : memref<384xf32, #tpu.memory_space<vmem>>[vector<16xi32>], vector<16xf32>,
      %sub3A_1094 = arith.subf %gather3A_61, %gather3A_1092 : vector<16xf32>
      %add3A_1095 = arith.constant 1.000000e+00 : f32
      %add3A_1096 = vector.broadcast %add3A_1095 : f32 to vector<16xf32>
      %add3A_1097 = arith.addf %sub3A_1094, %add3A_1096 : vector<16xf32>
      %jit3A_1098 = arith.constant 2.000000e+00 : f32
      %rem3A_1099 = vector.broadcast %jit3A_1098 : f32 to vector<16xf32>
      %rem3A_1100 = arith.remf %add3A_1097, %rem3A_1099 : vector<16xf32>
      %ne3A_1101 = arith.constant 0.000000e+00 : f32
      %ne3A_1102 = vector.broadcast %ne3A_1101 : f32 to vector<16xf32>
      %ne3A_1103 = arith.cmpf one, %rem3A_1100, %ne3A_1102 : vector<16xf32>
      %lt3A_1104 = arith.constant 0.000000e+00 : f32
      %lt3A_1105 = vector.broadcast %lt3A_1104 : f32 to vector<16xf32>
      %lt3A_1106 = arith.cmpf olt, %rem3A_1100, %lt3A_1105 : vector<16xf32>
      %lt3A_1107 = arith.constant 0.000000e+00 : f32
      %lt3A_1108 = arith.cmpf olt, %jit3A_1098, %lt3A_1107 : f32
      %ne3A_1109 = vector.broadcast %lt3A_1108 : i1 to vector<16xi1>
      %ne3A_1110 = vector.broadcast %ne3A_1109 : vector<16xi1> to vector<16xi1>
      %ne3A_1111 = arith.xori %lt3A_1106, %ne3A_1110 : vector<16xi1>
      %and3A_1112 = arith.andi %ne3A_1111, %ne3A_1103 : vector<16xi1>
      %add3A_1113 = vector.broadcast %jit3A_1098 : f32 to vector<16xf32>
      %add3A_1114 = arith.addf %rem3A_1100, %add3A_1113 : vector<16xf32>
      %select_n3A_1115 = arith.select %and3A_1112, %add3A_1114, %rem3A_1100 : vector<16xi1>, vector<16xf32>
      %sub3A_1116 = arith.constant 1.000000e+00 : f32
      %sub3A_1117 = vector.broadcast %sub3A_1116 : f32 to vector<16xf32>
      %sub3A_1118 = arith.subf %select_n3A_1115, %sub3A_1117 : vector<16xf32>
      %sub3A_1119 = arith.subf %gather3A_62, %gather3A_1093 : vector<16xf32>
      %add3A_1120 = arith.constant 1.000000e+00 : f32
      %add3A_1121 = vector.broadcast %add3A_1120 : f32 to vector<16xf32>
      %add3A_1122 = arith.addf %sub3A_1119, %add3A_1121 : vector<16xf32>
      %jit3A_1123 = arith.constant 2.000000e+00 : f32
      %rem3A_1124 = vector.broadcast %jit3A_1123 : f32 to vector<16xf32>
      %rem3A_1125 = arith.remf %add3A_1122, %rem3A_1124 : vector<16xf32>
      %ne3A_1126 = arith.constant 0.000000e+00 : f32
      %ne3A_1127 = vector.broadcast %ne3A_1126 : f32 to vector<16xf32>
      %ne3A_1128 = arith.cmpf one, %rem3A_1125, %ne3A_1127 : vector<16xf32>
      %lt3A_1129 = arith.constant 0.000000e+00 : f32
      %lt3A_1130 = vector.broadcast %lt3A_1129 : f32 to vector<16xf32>
      %lt3A_1131 = arith.cmpf olt, %rem3A_1125, %lt3A_1130 : vector<16xf32>
      %lt3A_1132 = arith.constant 0.000000e+00 : f32
      %lt3A_1133 = arith.cmpf olt, %jit3A_1123, %lt3A_1132 : f32
      %ne3A_1134 = vector.broadcast %lt3A_1133 : i1 to vector<16xi1>
      %ne3A_1135 = vector.broadcast %ne3A_1134 : vector<16xi1> to vector<16xi1>
      %ne3A_1136 = arith.xori %lt3A_1131, %ne3A_1135 : vector<16xi1>
      %and3A_1137 = arith.andi %ne3A_1136, %ne3A_1128 : vector<16xi1>
      %add3A_1138 = vector.broadcast %jit3A_1123 : f32 to vector<16xf32>
      %add3A_1139 = arith.addf %rem3A_1125, %add3A_1138 : vector<16xf32>
      %select_n3A_1140 = arith.select %and3A_1137, %add3A_1139, %rem3A_1125 : vector<16xi1>, vector<16xf32>
      %sub3A_1141 = arith.constant 1.000000e+00 : f32
      %sub3A_1142 = vector.broadcast %sub3A_1141 : f32 to vector<16xf32>
      %sub3A_1143 = arith.subf %select_n3A_1140, %sub3A_1142 : vector<16xf32>
      %mul3A_1144 = arith.mulf %sub3A_1118, %sub3A_1118 : vector<16xf32>
      %mul3A_1145 = arith.mulf %sub3A_1143, %sub3A_1143 : vector<16xf32>
      %add3A_1146 = arith.addf %mul3A_1144, %mul3A_1145 : vector<16xf32>
      %bitcast3A_1147 = vector.bitcast %add3A_1146 : vector<16xf32> to vector<16xi32>
      %shift_right_arithmetic3A_1148 = arith.constant 1 : i32
      %shift_right_arithmetic3A_1149 = vector.broadcast %shift_right_arithmetic3A_1148 : i32 to vector<16xi32>
      %shift_right_arithmetic3A_1150 = arith.shrsi %bitcast3A_1147, %shift_right_arithmetic3A_1149 : vector<16xi32>
      %add3A_1151 = arith.constant 532487669 : i32
      %add3A_1152 = vector.broadcast %add3A_1151 : i32 to vector<16xi32>
      %add3A_1153 = arith.addi %shift_right_arithmetic3A_1150, %add3A_1152 : vector<16xi32>
      %bitcast3A_1154 = vector.bitcast %add3A_1153 : vector<16xi32> to vector<16xf32>
      %div3A_1155 = arith.divf %add3A_1146, %bitcast3A_1154 : vector<16xf32>
      %add3A_1156 = arith.addf %bitcast3A_1154, %div3A_1155 : vector<16xf32>
      %mul3A_1157 = arith.constant 5.000000e-01 : f32
      %mul3A_1158 = vector.broadcast %mul3A_1157 : f32 to vector<16xf32>
      %mul3A_1159 = arith.mulf %mul3A_1158, %add3A_1156 : vector<16xf32>
      %div3A_1160 = arith.divf %add3A_1146, %mul3A_1159 : vector<16xf32>
      %add3A_1161 = arith.addf %mul3A_1159, %div3A_1160 : vector<16xf32>
      %mul3A_1162 = arith.constant 5.000000e-01 : f32
      %mul3A_1163 = vector.broadcast %mul3A_1162 : f32 to vector<16xf32>
      %mul3A_1164 = arith.mulf %mul3A_1163, %add3A_1161 : vector<16xf32>
      %div3A_1165 = arith.divf %add3A_1146, %mul3A_1164 : vector<16xf32>
      %add3A_1166 = arith.addf %mul3A_1164, %div3A_1165 : vector<16xf32>
      %mul3A_1167 = arith.constant 5.000000e-01 : f32
      %mul3A_1168 = vector.broadcast %mul3A_1167 : f32 to vector<16xf32>
      %mul3A_1169 = arith.mulf %mul3A_1168, %add3A_1166 : vector<16xf32>
      %mul3A_1170 = arith.constant -2.000000e+00 : f32
      %mul3A_1171 = vector.broadcast %mul3A_1170 : f32 to vector<16xf32>
      %mul3A_1172 = arith.mulf %mul3A_1171, %mul3A_1169 : vector<16xf32>
      %exp3A_1173 = math.exp %mul3A_1172 : vector<16xf32>
      %jit3A_1174 = arith.constant 0.000000e+00 : f32
      %broadcast_in_dim3A_1175 = vector.broadcast %jit3A_1174 : f32 to vector<16xf32>
      %select_n3A_1176 = arith.select %lt3A_76, %exp3A_1173, %broadcast_in_dim3A_1175 : vector<16xi1>, vector<16xf32>
      %add3A_1177 = arith.constant 4224 : i32
      %add3A_1178 = arith.addi %add3A_1177, %mul3A_72 : i32
      %swap3A_1179 = arith.index_cast %add3A_1178 : i32 to index
      %swap3A_1180 = tpu.vector_load %arg9[%swap3A_1179] {strides = array<i32>} : memref<4608xf32, #tpu.memory_space<vmem>>, vector<16xf32>,
      tpu.vector_store %arg9[%swap3A_1179], %select_n3A_1176 {strides = array<i32>} : memref<4608xf32, #tpu.memory_space<vmem>>, vector<16xf32>,
    }
    %scan3A_67 = arith.constant 24 : i32
    %mul3A_68 = arith.constant 384 : i32
    %mul3A_69 = arith.muli %mul3A_2, %mul3A_68 : i32
    "tpu.region"() ({
      %run_scoped3A = tpu.sem_alloc : memref<!tpu.dma_semaphore, #tpu.memory_space<semaphore_mem>>
      %dma_start3A = tpu.memref_slice %arg5[%mul3A_69] : memref<147456xf32, #tpu.memory_space<hbm>> -> memref<4608xf32, #tpu.memory_space<hbm>>
      %dma_start3A_70 = tpu.memref_slice %arg5[%mul3A_69] : memref<147456xf32, #tpu.memory_space<hbm>> -> memref<4608xf32, #tpu.memory_space<hbm>>
      tpu.enqueue_dma source(%arg9 : memref<4608xf32, #tpu.memory_space<vmem>>) target(%dma_start3A_70 : memref<4608xf32, #tpu.memory_space<hbm>>) target_semaphore(%run_scoped3A : memref<!tpu.dma_semaphore, #tpu.memory_space<semaphore_mem>>)
      %dma_wait3A = tpu.memref_slice %arg5[%mul3A_69] : memref<147456xf32, #tpu.memory_space<hbm>> -> memref<4608xf32, #tpu.memory_space<hbm>>
      %dma_wait3A_71 = tpu.memref_slice %arg5[%mul3A_69] : memref<147456xf32, #tpu.memory_space<hbm>> -> memref<4608xf32, #tpu.memory_space<hbm>>
      tpu.wait_dma2 semaphore(%run_scoped3A : memref<!tpu.dma_semaphore, #tpu.memory_space<semaphore_mem>>) src(%arg9 : memref<4608xf32, #tpu.memory_space<vmem>>) dst(%dma_wait3A_71 : memref<4608xf32, #tpu.memory_space<hbm>>)
      tpu.yield
    }) : () -> ()
    return
  }
}

module attributes {stable_mosaic.version = 14 : i64} {
  func.func @body(%arg0: memref<384x384xf32, #tpu.memory_space<vmem>>, %arg1: memref<512x1xf32, #tpu.memory_space<vmem>>, %arg2: memref<512x1xf32, #tpu.memory_space<vmem>>, %arg3: memref<512x512xf32, #tpu.memory_space<vmem>>, %arg4: memref<1x512xf32, #tpu.memory_space<vmem>>, %arg5: memref<384x512xf32, #tpu.memory_space<vmem>>) attributes {dimension_semantics = [], scalar_prefetch = 0 : i64, scratch_operands = 0 : i64, tpu.core_type = #tpu.core_type<tc>} {
    %get3A = arith.constant 0 : index
    %get3A_0 = arith.constant 0 : index
    %get3A_1 = vector.load %arg1[%get3A, %get3A_0] : memref<512x1xf32, #tpu.memory_space<vmem>>, vector<128x1xf32>
    %broadcast_in_dim3A = arith.constant 0.000000e+00 : f32
    %broadcast_in_dim3A_2 = vector.broadcast %broadcast_in_dim3A : f32 to vector<128x384xf32>
    %scan3A = arith.constant 0 : i32
    %scan3A_3 = arith.constant 48 : i32
    %scan3A_4 = arith.addi %scan3A, %scan3A_3 : i32
    %scan3A_5 = arith.constant 1 : i32
    %scan3A_6 = scf.for %scan3A_59 = %scan3A to %scan3A_4 step %scan3A_5 iter_args(%scan3A_60 = %broadcast_in_dim3A_2) -> (vector<128x384xf32>)  : i32 {
      %mul3A_61 = arith.constant 8 : i32
      %mul3A_62 = arith.muli %scan3A_59, %mul3A_61 : i32
      %get3A_63 = arith.index_cast %mul3A_62 : i32 to index
      %get3A_64 = arith.constant 0 : index
      %get3A_65 = vector.load %arg0[%get3A_63, %get3A_64] : memref<384x384xf32, #tpu.memory_space<vmem>>, vector<8x384xf32>
      %slice3A = vector.extract_strided_slice %get3A_65 {offsets = [0, 0], sizes = [1, 384], strides = [1, 1]} : vector<8x384xf32> to vector<1x384xf32>
      %mul3A_66 = vector.broadcast %get3A_1 : vector<128x1xf32> to vector<128x384xf32>
      %mul3A_67 = vector.broadcast %slice3A : vector<1x384xf32> to vector<128x384xf32>
      %mul3A_68 = arith.mulf %mul3A_66, %mul3A_67 : vector<128x384xf32>
      %max3A = arith.constant 0.000000e+00 : f32
      %max3A_69 = vector.broadcast %max3A : f32 to vector<128x384xf32>
      %max3A_70 = arith.maximumf %mul3A_68, %max3A_69 : vector<128x384xf32>
      %bitcast_convert_type3A_71 = tpu.bitcast %max3A_70 : vector<128x384xf32> -> vector<128x384xi32>
      %add3A_72 = arith.constant 32768 : i32
      %add3A_73 = vector.broadcast %add3A_72 : i32 to vector<128x384xi32>
      %add3A_74 = arith.addi %bitcast_convert_type3A_71, %add3A_73 : vector<128x384xi32>
      %and3A_75 = arith.constant -65536 : i32
      %and3A_76 = vector.broadcast %and3A_75 : i32 to vector<128x384xi32>
      %and3A_77 = arith.andi %add3A_74, %and3A_76 : vector<128x384xi32>
      %bitcast_convert_type3A_78 = tpu.bitcast %and3A_77 : vector<128x384xi32> -> vector<128x384xf32>
      %add3A_79 = arith.addf %scan3A_60, %bitcast_convert_type3A_78 : vector<128x384xf32>
      %slice3A_80 = vector.extract_strided_slice %get3A_65 {offsets = [1, 0], sizes = [1, 384], strides = [1, 1]} : vector<8x384xf32> to vector<1x384xf32>
      %mul3A_81 = vector.broadcast %get3A_1 : vector<128x1xf32> to vector<128x384xf32>
      %mul3A_82 = vector.broadcast %slice3A_80 : vector<1x384xf32> to vector<128x384xf32>
      %mul3A_83 = arith.mulf %mul3A_81, %mul3A_82 : vector<128x384xf32>
      %max3A_84 = arith.constant 0.000000e+00 : f32
      %max3A_85 = vector.broadcast %max3A_84 : f32 to vector<128x384xf32>
      %max3A_86 = arith.maximumf %mul3A_83, %max3A_85 : vector<128x384xf32>
      %bitcast_convert_type3A_87 = tpu.bitcast %max3A_86 : vector<128x384xf32> -> vector<128x384xi32>
      %add3A_88 = arith.constant 32768 : i32
      %add3A_89 = vector.broadcast %add3A_88 : i32 to vector<128x384xi32>
      %add3A_90 = arith.addi %bitcast_convert_type3A_87, %add3A_89 : vector<128x384xi32>
      %and3A_91 = arith.constant -65536 : i32
      %and3A_92 = vector.broadcast %and3A_91 : i32 to vector<128x384xi32>
      %and3A_93 = arith.andi %add3A_90, %and3A_92 : vector<128x384xi32>
      %bitcast_convert_type3A_94 = tpu.bitcast %and3A_93 : vector<128x384xi32> -> vector<128x384xf32>
      %add3A_95 = arith.addf %add3A_79, %bitcast_convert_type3A_94 : vector<128x384xf32>
      %slice3A_96 = vector.extract_strided_slice %get3A_65 {offsets = [2, 0], sizes = [1, 384], strides = [1, 1]} : vector<8x384xf32> to vector<1x384xf32>
      %mul3A_97 = vector.broadcast %get3A_1 : vector<128x1xf32> to vector<128x384xf32>
      %mul3A_98 = vector.broadcast %slice3A_96 : vector<1x384xf32> to vector<128x384xf32>
      %mul3A_99 = arith.mulf %mul3A_97, %mul3A_98 : vector<128x384xf32>
      %max3A_100 = arith.constant 0.000000e+00 : f32
      %max3A_101 = vector.broadcast %max3A_100 : f32 to vector<128x384xf32>
      %max3A_102 = arith.maximumf %mul3A_99, %max3A_101 : vector<128x384xf32>
      %bitcast_convert_type3A_103 = tpu.bitcast %max3A_102 : vector<128x384xf32> -> vector<128x384xi32>
      %add3A_104 = arith.constant 32768 : i32
      %add3A_105 = vector.broadcast %add3A_104 : i32 to vector<128x384xi32>
      %add3A_106 = arith.addi %bitcast_convert_type3A_103, %add3A_105 : vector<128x384xi32>
      %and3A_107 = arith.constant -65536 : i32
      %and3A_108 = vector.broadcast %and3A_107 : i32 to vector<128x384xi32>
      %and3A_109 = arith.andi %add3A_106, %and3A_108 : vector<128x384xi32>
      %bitcast_convert_type3A_110 = tpu.bitcast %and3A_109 : vector<128x384xi32> -> vector<128x384xf32>
      %add3A_111 = arith.addf %add3A_95, %bitcast_convert_type3A_110 : vector<128x384xf32>
      %slice3A_112 = vector.extract_strided_slice %get3A_65 {offsets = [3, 0], sizes = [1, 384], strides = [1, 1]} : vector<8x384xf32> to vector<1x384xf32>
      %mul3A_113 = vector.broadcast %get3A_1 : vector<128x1xf32> to vector<128x384xf32>
      %mul3A_114 = vector.broadcast %slice3A_112 : vector<1x384xf32> to vector<128x384xf32>
      %mul3A_115 = arith.mulf %mul3A_113, %mul3A_114 : vector<128x384xf32>
      %max3A_116 = arith.constant 0.000000e+00 : f32
      %max3A_117 = vector.broadcast %max3A_116 : f32 to vector<128x384xf32>
      %max3A_118 = arith.maximumf %mul3A_115, %max3A_117 : vector<128x384xf32>
      %bitcast_convert_type3A_119 = tpu.bitcast %max3A_118 : vector<128x384xf32> -> vector<128x384xi32>
      %add3A_120 = arith.constant 32768 : i32
      %add3A_121 = vector.broadcast %add3A_120 : i32 to vector<128x384xi32>
      %add3A_122 = arith.addi %bitcast_convert_type3A_119, %add3A_121 : vector<128x384xi32>
      %and3A_123 = arith.constant -65536 : i32
      %and3A_124 = vector.broadcast %and3A_123 : i32 to vector<128x384xi32>
      %and3A_125 = arith.andi %add3A_122, %and3A_124 : vector<128x384xi32>
      %bitcast_convert_type3A_126 = tpu.bitcast %and3A_125 : vector<128x384xi32> -> vector<128x384xf32>
      %add3A_127 = arith.addf %add3A_111, %bitcast_convert_type3A_126 : vector<128x384xf32>
      %slice3A_128 = vector.extract_strided_slice %get3A_65 {offsets = [4, 0], sizes = [1, 384], strides = [1, 1]} : vector<8x384xf32> to vector<1x384xf32>
      %mul3A_129 = vector.broadcast %get3A_1 : vector<128x1xf32> to vector<128x384xf32>
      %mul3A_130 = vector.broadcast %slice3A_128 : vector<1x384xf32> to vector<128x384xf32>
      %mul3A_131 = arith.mulf %mul3A_129, %mul3A_130 : vector<128x384xf32>
      %max3A_132 = arith.constant 0.000000e+00 : f32
      %max3A_133 = vector.broadcast %max3A_132 : f32 to vector<128x384xf32>
      %max3A_134 = arith.maximumf %mul3A_131, %max3A_133 : vector<128x384xf32>
      %bitcast_convert_type3A_135 = tpu.bitcast %max3A_134 : vector<128x384xf32> -> vector<128x384xi32>
      %add3A_136 = arith.constant 32768 : i32
      %add3A_137 = vector.broadcast %add3A_136 : i32 to vector<128x384xi32>
      %add3A_138 = arith.addi %bitcast_convert_type3A_135, %add3A_137 : vector<128x384xi32>
      %and3A_139 = arith.constant -65536 : i32
      %and3A_140 = vector.broadcast %and3A_139 : i32 to vector<128x384xi32>
      %and3A_141 = arith.andi %add3A_138, %and3A_140 : vector<128x384xi32>
      %bitcast_convert_type3A_142 = tpu.bitcast %and3A_141 : vector<128x384xi32> -> vector<128x384xf32>
      %add3A_143 = arith.addf %add3A_127, %bitcast_convert_type3A_142 : vector<128x384xf32>
      %slice3A_144 = vector.extract_strided_slice %get3A_65 {offsets = [5, 0], sizes = [1, 384], strides = [1, 1]} : vector<8x384xf32> to vector<1x384xf32>
      %mul3A_145 = vector.broadcast %get3A_1 : vector<128x1xf32> to vector<128x384xf32>
      %mul3A_146 = vector.broadcast %slice3A_144 : vector<1x384xf32> to vector<128x384xf32>
      %mul3A_147 = arith.mulf %mul3A_145, %mul3A_146 : vector<128x384xf32>
      %max3A_148 = arith.constant 0.000000e+00 : f32
      %max3A_149 = vector.broadcast %max3A_148 : f32 to vector<128x384xf32>
      %max3A_150 = arith.maximumf %mul3A_147, %max3A_149 : vector<128x384xf32>
      %bitcast_convert_type3A_151 = tpu.bitcast %max3A_150 : vector<128x384xf32> -> vector<128x384xi32>
      %add3A_152 = arith.constant 32768 : i32
      %add3A_153 = vector.broadcast %add3A_152 : i32 to vector<128x384xi32>
      %add3A_154 = arith.addi %bitcast_convert_type3A_151, %add3A_153 : vector<128x384xi32>
      %and3A_155 = arith.constant -65536 : i32
      %and3A_156 = vector.broadcast %and3A_155 : i32 to vector<128x384xi32>
      %and3A_157 = arith.andi %add3A_154, %and3A_156 : vector<128x384xi32>
      %bitcast_convert_type3A_158 = tpu.bitcast %and3A_157 : vector<128x384xi32> -> vector<128x384xf32>
      %add3A_159 = arith.addf %add3A_143, %bitcast_convert_type3A_158 : vector<128x384xf32>
      %slice3A_160 = vector.extract_strided_slice %get3A_65 {offsets = [6, 0], sizes = [1, 384], strides = [1, 1]} : vector<8x384xf32> to vector<1x384xf32>
      %mul3A_161 = vector.broadcast %get3A_1 : vector<128x1xf32> to vector<128x384xf32>
      %mul3A_162 = vector.broadcast %slice3A_160 : vector<1x384xf32> to vector<128x384xf32>
      %mul3A_163 = arith.mulf %mul3A_161, %mul3A_162 : vector<128x384xf32>
      %max3A_164 = arith.constant 0.000000e+00 : f32
      %max3A_165 = vector.broadcast %max3A_164 : f32 to vector<128x384xf32>
      %max3A_166 = arith.maximumf %mul3A_163, %max3A_165 : vector<128x384xf32>
      %bitcast_convert_type3A_167 = tpu.bitcast %max3A_166 : vector<128x384xf32> -> vector<128x384xi32>
      %add3A_168 = arith.constant 32768 : i32
      %add3A_169 = vector.broadcast %add3A_168 : i32 to vector<128x384xi32>
      %add3A_170 = arith.addi %bitcast_convert_type3A_167, %add3A_169 : vector<128x384xi32>
      %and3A_171 = arith.constant -65536 : i32
      %and3A_172 = vector.broadcast %and3A_171 : i32 to vector<128x384xi32>
      %and3A_173 = arith.andi %add3A_170, %and3A_172 : vector<128x384xi32>
      %bitcast_convert_type3A_174 = tpu.bitcast %and3A_173 : vector<128x384xi32> -> vector<128x384xf32>
      %add3A_175 = arith.addf %add3A_159, %bitcast_convert_type3A_174 : vector<128x384xf32>
      %slice3A_176 = vector.extract_strided_slice %get3A_65 {offsets = [7, 0], sizes = [1, 384], strides = [1, 1]} : vector<8x384xf32> to vector<1x384xf32>
      %mul3A_177 = vector.broadcast %get3A_1 : vector<128x1xf32> to vector<128x384xf32>
      %mul3A_178 = vector.broadcast %slice3A_176 : vector<1x384xf32> to vector<128x384xf32>
      %mul3A_179 = arith.mulf %mul3A_177, %mul3A_178 : vector<128x384xf32>
      %max3A_180 = arith.constant 0.000000e+00 : f32
      %max3A_181 = vector.broadcast %max3A_180 : f32 to vector<128x384xf32>
      %max3A_182 = arith.maximumf %mul3A_179, %max3A_181 : vector<128x384xf32>
      %bitcast_convert_type3A_183 = tpu.bitcast %max3A_182 : vector<128x384xf32> -> vector<128x384xi32>
      %add3A_184 = arith.constant 32768 : i32
      %add3A_185 = vector.broadcast %add3A_184 : i32 to vector<128x384xi32>
      %add3A_186 = arith.addi %bitcast_convert_type3A_183, %add3A_185 : vector<128x384xi32>
      %and3A_187 = arith.constant -65536 : i32
      %and3A_188 = vector.broadcast %and3A_187 : i32 to vector<128x384xi32>
      %and3A_189 = arith.andi %add3A_186, %and3A_188 : vector<128x384xi32>
      %bitcast_convert_type3A_190 = tpu.bitcast %and3A_189 : vector<128x384xi32> -> vector<128x384xf32>
      %add3A_191 = arith.addf %add3A_175, %bitcast_convert_type3A_190 : vector<128x384xf32>
      scf.yield %add3A_191 : vector<128x384xf32>
    }
    %scan3A_7 = arith.constant 48 : i32
    %get3A_8 = arith.constant 128 : index
    %get3A_9 = arith.constant 0 : index
    %get3A_10 = vector.load %arg1[%get3A_8, %get3A_9] : memref<512x1xf32, #tpu.memory_space<vmem>>, vector<128x1xf32>
    %broadcast_in_dim3A_11 = arith.constant 0.000000e+00 : f32
    %broadcast_in_dim3A_12 = vector.broadcast %broadcast_in_dim3A_11 : f32 to vector<128x384xf32>
    %scan3A_13 = arith.constant 0 : i32
    %scan3A_14 = arith.constant 48 : i32
    %scan3A_15 = arith.addi %scan3A_13, %scan3A_14 : i32
    %scan3A_16 = arith.constant 1 : i32
    %scan3A_17 = scf.for %scan3A_59 = %scan3A_13 to %scan3A_15 step %scan3A_16 iter_args(%scan3A_60 = %broadcast_in_dim3A_12) -> (vector<128x384xf32>)  : i32 {
      %mul3A_61 = arith.constant 8 : i32
      %mul3A_62 = arith.muli %scan3A_59, %mul3A_61 : i32
      %get3A_63 = arith.index_cast %mul3A_62 : i32 to index
      %get3A_64 = arith.constant 0 : index
      %get3A_65 = vector.load %arg0[%get3A_63, %get3A_64] : memref<384x384xf32, #tpu.memory_space<vmem>>, vector<8x384xf32>
      %slice3A = vector.extract_strided_slice %get3A_65 {offsets = [0, 0], sizes = [1, 384], strides = [1, 1]} : vector<8x384xf32> to vector<1x384xf32>
      %mul3A_66 = vector.broadcast %get3A_10 : vector<128x1xf32> to vector<128x384xf32>
      %mul3A_67 = vector.broadcast %slice3A : vector<1x384xf32> to vector<128x384xf32>
      %mul3A_68 = arith.mulf %mul3A_66, %mul3A_67 : vector<128x384xf32>
      %max3A = arith.constant 0.000000e+00 : f32
      %max3A_69 = vector.broadcast %max3A : f32 to vector<128x384xf32>
      %max3A_70 = arith.maximumf %mul3A_68, %max3A_69 : vector<128x384xf32>
      %bitcast_convert_type3A_71 = tpu.bitcast %max3A_70 : vector<128x384xf32> -> vector<128x384xi32>
      %add3A_72 = arith.constant 32768 : i32
      %add3A_73 = vector.broadcast %add3A_72 : i32 to vector<128x384xi32>
      %add3A_74 = arith.addi %bitcast_convert_type3A_71, %add3A_73 : vector<128x384xi32>
      %and3A_75 = arith.constant -65536 : i32
      %and3A_76 = vector.broadcast %and3A_75 : i32 to vector<128x384xi32>
      %and3A_77 = arith.andi %add3A_74, %and3A_76 : vector<128x384xi32>
      %bitcast_convert_type3A_78 = tpu.bitcast %and3A_77 : vector<128x384xi32> -> vector<128x384xf32>
      %add3A_79 = arith.addf %scan3A_60, %bitcast_convert_type3A_78 : vector<128x384xf32>
      %slice3A_80 = vector.extract_strided_slice %get3A_65 {offsets = [1, 0], sizes = [1, 384], strides = [1, 1]} : vector<8x384xf32> to vector<1x384xf32>
      %mul3A_81 = vector.broadcast %get3A_10 : vector<128x1xf32> to vector<128x384xf32>
      %mul3A_82 = vector.broadcast %slice3A_80 : vector<1x384xf32> to vector<128x384xf32>
      %mul3A_83 = arith.mulf %mul3A_81, %mul3A_82 : vector<128x384xf32>
      %max3A_84 = arith.constant 0.000000e+00 : f32
      %max3A_85 = vector.broadcast %max3A_84 : f32 to vector<128x384xf32>
      %max3A_86 = arith.maximumf %mul3A_83, %max3A_85 : vector<128x384xf32>
      %bitcast_convert_type3A_87 = tpu.bitcast %max3A_86 : vector<128x384xf32> -> vector<128x384xi32>
      %add3A_88 = arith.constant 32768 : i32
      %add3A_89 = vector.broadcast %add3A_88 : i32 to vector<128x384xi32>
      %add3A_90 = arith.addi %bitcast_convert_type3A_87, %add3A_89 : vector<128x384xi32>
      %and3A_91 = arith.constant -65536 : i32
      %and3A_92 = vector.broadcast %and3A_91 : i32 to vector<128x384xi32>
      %and3A_93 = arith.andi %add3A_90, %and3A_92 : vector<128x384xi32>
      %bitcast_convert_type3A_94 = tpu.bitcast %and3A_93 : vector<128x384xi32> -> vector<128x384xf32>
      %add3A_95 = arith.addf %add3A_79, %bitcast_convert_type3A_94 : vector<128x384xf32>
      %slice3A_96 = vector.extract_strided_slice %get3A_65 {offsets = [2, 0], sizes = [1, 384], strides = [1, 1]} : vector<8x384xf32> to vector<1x384xf32>
      %mul3A_97 = vector.broadcast %get3A_10 : vector<128x1xf32> to vector<128x384xf32>
      %mul3A_98 = vector.broadcast %slice3A_96 : vector<1x384xf32> to vector<128x384xf32>
      %mul3A_99 = arith.mulf %mul3A_97, %mul3A_98 : vector<128x384xf32>
      %max3A_100 = arith.constant 0.000000e+00 : f32
      %max3A_101 = vector.broadcast %max3A_100 : f32 to vector<128x384xf32>
      %max3A_102 = arith.maximumf %mul3A_99, %max3A_101 : vector<128x384xf32>
      %bitcast_convert_type3A_103 = tpu.bitcast %max3A_102 : vector<128x384xf32> -> vector<128x384xi32>
      %add3A_104 = arith.constant 32768 : i32
      %add3A_105 = vector.broadcast %add3A_104 : i32 to vector<128x384xi32>
      %add3A_106 = arith.addi %bitcast_convert_type3A_103, %add3A_105 : vector<128x384xi32>
      %and3A_107 = arith.constant -65536 : i32
      %and3A_108 = vector.broadcast %and3A_107 : i32 to vector<128x384xi32>
      %and3A_109 = arith.andi %add3A_106, %and3A_108 : vector<128x384xi32>
      %bitcast_convert_type3A_110 = tpu.bitcast %and3A_109 : vector<128x384xi32> -> vector<128x384xf32>
      %add3A_111 = arith.addf %add3A_95, %bitcast_convert_type3A_110 : vector<128x384xf32>
      %slice3A_112 = vector.extract_strided_slice %get3A_65 {offsets = [3, 0], sizes = [1, 384], strides = [1, 1]} : vector<8x384xf32> to vector<1x384xf32>
      %mul3A_113 = vector.broadcast %get3A_10 : vector<128x1xf32> to vector<128x384xf32>
      %mul3A_114 = vector.broadcast %slice3A_112 : vector<1x384xf32> to vector<128x384xf32>
      %mul3A_115 = arith.mulf %mul3A_113, %mul3A_114 : vector<128x384xf32>
      %max3A_116 = arith.constant 0.000000e+00 : f32
      %max3A_117 = vector.broadcast %max3A_116 : f32 to vector<128x384xf32>
      %max3A_118 = arith.maximumf %mul3A_115, %max3A_117 : vector<128x384xf32>
      %bitcast_convert_type3A_119 = tpu.bitcast %max3A_118 : vector<128x384xf32> -> vector<128x384xi32>
      %add3A_120 = arith.constant 32768 : i32
      %add3A_121 = vector.broadcast %add3A_120 : i32 to vector<128x384xi32>
      %add3A_122 = arith.addi %bitcast_convert_type3A_119, %add3A_121 : vector<128x384xi32>
      %and3A_123 = arith.constant -65536 : i32
      %and3A_124 = vector.broadcast %and3A_123 : i32 to vector<128x384xi32>
      %and3A_125 = arith.andi %add3A_122, %and3A_124 : vector<128x384xi32>
      %bitcast_convert_type3A_126 = tpu.bitcast %and3A_125 : vector<128x384xi32> -> vector<128x384xf32>
      %add3A_127 = arith.addf %add3A_111, %bitcast_convert_type3A_126 : vector<128x384xf32>
      %slice3A_128 = vector.extract_strided_slice %get3A_65 {offsets = [4, 0], sizes = [1, 384], strides = [1, 1]} : vector<8x384xf32> to vector<1x384xf32>
      %mul3A_129 = vector.broadcast %get3A_10 : vector<128x1xf32> to vector<128x384xf32>
      %mul3A_130 = vector.broadcast %slice3A_128 : vector<1x384xf32> to vector<128x384xf32>
      %mul3A_131 = arith.mulf %mul3A_129, %mul3A_130 : vector<128x384xf32>
      %max3A_132 = arith.constant 0.000000e+00 : f32
      %max3A_133 = vector.broadcast %max3A_132 : f32 to vector<128x384xf32>
      %max3A_134 = arith.maximumf %mul3A_131, %max3A_133 : vector<128x384xf32>
      %bitcast_convert_type3A_135 = tpu.bitcast %max3A_134 : vector<128x384xf32> -> vector<128x384xi32>
      %add3A_136 = arith.constant 32768 : i32
      %add3A_137 = vector.broadcast %add3A_136 : i32 to vector<128x384xi32>
      %add3A_138 = arith.addi %bitcast_convert_type3A_135, %add3A_137 : vector<128x384xi32>
      %and3A_139 = arith.constant -65536 : i32
      %and3A_140 = vector.broadcast %and3A_139 : i32 to vector<128x384xi32>
      %and3A_141 = arith.andi %add3A_138, %and3A_140 : vector<128x384xi32>
      %bitcast_convert_type3A_142 = tpu.bitcast %and3A_141 : vector<128x384xi32> -> vector<128x384xf32>
      %add3A_143 = arith.addf %add3A_127, %bitcast_convert_type3A_142 : vector<128x384xf32>
      %slice3A_144 = vector.extract_strided_slice %get3A_65 {offsets = [5, 0], sizes = [1, 384], strides = [1, 1]} : vector<8x384xf32> to vector<1x384xf32>
      %mul3A_145 = vector.broadcast %get3A_10 : vector<128x1xf32> to vector<128x384xf32>
      %mul3A_146 = vector.broadcast %slice3A_144 : vector<1x384xf32> to vector<128x384xf32>
      %mul3A_147 = arith.mulf %mul3A_145, %mul3A_146 : vector<128x384xf32>
      %max3A_148 = arith.constant 0.000000e+00 : f32
      %max3A_149 = vector.broadcast %max3A_148 : f32 to vector<128x384xf32>
      %max3A_150 = arith.maximumf %mul3A_147, %max3A_149 : vector<128x384xf32>
      %bitcast_convert_type3A_151 = tpu.bitcast %max3A_150 : vector<128x384xf32> -> vector<128x384xi32>
      %add3A_152 = arith.constant 32768 : i32
      %add3A_153 = vector.broadcast %add3A_152 : i32 to vector<128x384xi32>
      %add3A_154 = arith.addi %bitcast_convert_type3A_151, %add3A_153 : vector<128x384xi32>
      %and3A_155 = arith.constant -65536 : i32
      %and3A_156 = vector.broadcast %and3A_155 : i32 to vector<128x384xi32>
      %and3A_157 = arith.andi %add3A_154, %and3A_156 : vector<128x384xi32>
      %bitcast_convert_type3A_158 = tpu.bitcast %and3A_157 : vector<128x384xi32> -> vector<128x384xf32>
      %add3A_159 = arith.addf %add3A_143, %bitcast_convert_type3A_158 : vector<128x384xf32>
      %slice3A_160 = vector.extract_strided_slice %get3A_65 {offsets = [6, 0], sizes = [1, 384], strides = [1, 1]} : vector<8x384xf32> to vector<1x384xf32>
      %mul3A_161 = vector.broadcast %get3A_10 : vector<128x1xf32> to vector<128x384xf32>
      %mul3A_162 = vector.broadcast %slice3A_160 : vector<1x384xf32> to vector<128x384xf32>
      %mul3A_163 = arith.mulf %mul3A_161, %mul3A_162 : vector<128x384xf32>
      %max3A_164 = arith.constant 0.000000e+00 : f32
      %max3A_165 = vector.broadcast %max3A_164 : f32 to vector<128x384xf32>
      %max3A_166 = arith.maximumf %mul3A_163, %max3A_165 : vector<128x384xf32>
      %bitcast_convert_type3A_167 = tpu.bitcast %max3A_166 : vector<128x384xf32> -> vector<128x384xi32>
      %add3A_168 = arith.constant 32768 : i32
      %add3A_169 = vector.broadcast %add3A_168 : i32 to vector<128x384xi32>
      %add3A_170 = arith.addi %bitcast_convert_type3A_167, %add3A_169 : vector<128x384xi32>
      %and3A_171 = arith.constant -65536 : i32
      %and3A_172 = vector.broadcast %and3A_171 : i32 to vector<128x384xi32>
      %and3A_173 = arith.andi %add3A_170, %and3A_172 : vector<128x384xi32>
      %bitcast_convert_type3A_174 = tpu.bitcast %and3A_173 : vector<128x384xi32> -> vector<128x384xf32>
      %add3A_175 = arith.addf %add3A_159, %bitcast_convert_type3A_174 : vector<128x384xf32>
      %slice3A_176 = vector.extract_strided_slice %get3A_65 {offsets = [7, 0], sizes = [1, 384], strides = [1, 1]} : vector<8x384xf32> to vector<1x384xf32>
      %mul3A_177 = vector.broadcast %get3A_10 : vector<128x1xf32> to vector<128x384xf32>
      %mul3A_178 = vector.broadcast %slice3A_176 : vector<1x384xf32> to vector<128x384xf32>
      %mul3A_179 = arith.mulf %mul3A_177, %mul3A_178 : vector<128x384xf32>
      %max3A_180 = arith.constant 0.000000e+00 : f32
      %max3A_181 = vector.broadcast %max3A_180 : f32 to vector<128x384xf32>
      %max3A_182 = arith.maximumf %mul3A_179, %max3A_181 : vector<128x384xf32>
      %bitcast_convert_type3A_183 = tpu.bitcast %max3A_182 : vector<128x384xf32> -> vector<128x384xi32>
      %add3A_184 = arith.constant 32768 : i32
      %add3A_185 = vector.broadcast %add3A_184 : i32 to vector<128x384xi32>
      %add3A_186 = arith.addi %bitcast_convert_type3A_183, %add3A_185 : vector<128x384xi32>
      %and3A_187 = arith.constant -65536 : i32
      %and3A_188 = vector.broadcast %and3A_187 : i32 to vector<128x384xi32>
      %and3A_189 = arith.andi %add3A_186, %and3A_188 : vector<128x384xi32>
      %bitcast_convert_type3A_190 = tpu.bitcast %and3A_189 : vector<128x384xi32> -> vector<128x384xf32>
      %add3A_191 = arith.addf %add3A_175, %bitcast_convert_type3A_190 : vector<128x384xf32>
      scf.yield %add3A_191 : vector<128x384xf32>
    }
    %scan3A_18 = arith.constant 48 : i32
    %get3A_19 = arith.constant 256 : index
    %get3A_20 = arith.constant 0 : index
    %get3A_21 = vector.load %arg1[%get3A_19, %get3A_20] : memref<512x1xf32, #tpu.memory_space<vmem>>, vector<128x1xf32>
    %broadcast_in_dim3A_22 = arith.constant 0.000000e+00 : f32
    %broadcast_in_dim3A_23 = vector.broadcast %broadcast_in_dim3A_22 : f32 to vector<128x384xf32>
    %scan3A_24 = arith.constant 0 : i32
    %scan3A_25 = arith.constant 48 : i32
    %scan3A_26 = arith.addi %scan3A_24, %scan3A_25 : i32
    %scan3A_27 = arith.constant 1 : i32
    %scan3A_28 = scf.for %scan3A_59 = %scan3A_24 to %scan3A_26 step %scan3A_27 iter_args(%scan3A_60 = %broadcast_in_dim3A_23) -> (vector<128x384xf32>)  : i32 {
      %mul3A_61 = arith.constant 8 : i32
      %mul3A_62 = arith.muli %scan3A_59, %mul3A_61 : i32
      %get3A_63 = arith.index_cast %mul3A_62 : i32 to index
      %get3A_64 = arith.constant 0 : index
      %get3A_65 = vector.load %arg0[%get3A_63, %get3A_64] : memref<384x384xf32, #tpu.memory_space<vmem>>, vector<8x384xf32>
      %slice3A = vector.extract_strided_slice %get3A_65 {offsets = [0, 0], sizes = [1, 384], strides = [1, 1]} : vector<8x384xf32> to vector<1x384xf32>
      %mul3A_66 = vector.broadcast %get3A_21 : vector<128x1xf32> to vector<128x384xf32>
      %mul3A_67 = vector.broadcast %slice3A : vector<1x384xf32> to vector<128x384xf32>
      %mul3A_68 = arith.mulf %mul3A_66, %mul3A_67 : vector<128x384xf32>
      %max3A = arith.constant 0.000000e+00 : f32
      %max3A_69 = vector.broadcast %max3A : f32 to vector<128x384xf32>
      %max3A_70 = arith.maximumf %mul3A_68, %max3A_69 : vector<128x384xf32>
      %bitcast_convert_type3A_71 = tpu.bitcast %max3A_70 : vector<128x384xf32> -> vector<128x384xi32>
      %add3A_72 = arith.constant 32768 : i32
      %add3A_73 = vector.broadcast %add3A_72 : i32 to vector<128x384xi32>
      %add3A_74 = arith.addi %bitcast_convert_type3A_71, %add3A_73 : vector<128x384xi32>
      %and3A_75 = arith.constant -65536 : i32
      %and3A_76 = vector.broadcast %and3A_75 : i32 to vector<128x384xi32>
      %and3A_77 = arith.andi %add3A_74, %and3A_76 : vector<128x384xi32>
      %bitcast_convert_type3A_78 = tpu.bitcast %and3A_77 : vector<128x384xi32> -> vector<128x384xf32>
      %add3A_79 = arith.addf %scan3A_60, %bitcast_convert_type3A_78 : vector<128x384xf32>
      %slice3A_80 = vector.extract_strided_slice %get3A_65 {offsets = [1, 0], sizes = [1, 384], strides = [1, 1]} : vector<8x384xf32> to vector<1x384xf32>
      %mul3A_81 = vector.broadcast %get3A_21 : vector<128x1xf32> to vector<128x384xf32>
      %mul3A_82 = vector.broadcast %slice3A_80 : vector<1x384xf32> to vector<128x384xf32>
      %mul3A_83 = arith.mulf %mul3A_81, %mul3A_82 : vector<128x384xf32>
      %max3A_84 = arith.constant 0.000000e+00 : f32
      %max3A_85 = vector.broadcast %max3A_84 : f32 to vector<128x384xf32>
      %max3A_86 = arith.maximumf %mul3A_83, %max3A_85 : vector<128x384xf32>
      %bitcast_convert_type3A_87 = tpu.bitcast %max3A_86 : vector<128x384xf32> -> vector<128x384xi32>
      %add3A_88 = arith.constant 32768 : i32
      %add3A_89 = vector.broadcast %add3A_88 : i32 to vector<128x384xi32>
      %add3A_90 = arith.addi %bitcast_convert_type3A_87, %add3A_89 : vector<128x384xi32>
      %and3A_91 = arith.constant -65536 : i32
      %and3A_92 = vector.broadcast %and3A_91 : i32 to vector<128x384xi32>
      %and3A_93 = arith.andi %add3A_90, %and3A_92 : vector<128x384xi32>
      %bitcast_convert_type3A_94 = tpu.bitcast %and3A_93 : vector<128x384xi32> -> vector<128x384xf32>
      %add3A_95 = arith.addf %add3A_79, %bitcast_convert_type3A_94 : vector<128x384xf32>
      %slice3A_96 = vector.extract_strided_slice %get3A_65 {offsets = [2, 0], sizes = [1, 384], strides = [1, 1]} : vector<8x384xf32> to vector<1x384xf32>
      %mul3A_97 = vector.broadcast %get3A_21 : vector<128x1xf32> to vector<128x384xf32>
      %mul3A_98 = vector.broadcast %slice3A_96 : vector<1x384xf32> to vector<128x384xf32>
      %mul3A_99 = arith.mulf %mul3A_97, %mul3A_98 : vector<128x384xf32>
      %max3A_100 = arith.constant 0.000000e+00 : f32
      %max3A_101 = vector.broadcast %max3A_100 : f32 to vector<128x384xf32>
      %max3A_102 = arith.maximumf %mul3A_99, %max3A_101 : vector<128x384xf32>
      %bitcast_convert_type3A_103 = tpu.bitcast %max3A_102 : vector<128x384xf32> -> vector<128x384xi32>
      %add3A_104 = arith.constant 32768 : i32
      %add3A_105 = vector.broadcast %add3A_104 : i32 to vector<128x384xi32>
      %add3A_106 = arith.addi %bitcast_convert_type3A_103, %add3A_105 : vector<128x384xi32>
      %and3A_107 = arith.constant -65536 : i32
      %and3A_108 = vector.broadcast %and3A_107 : i32 to vector<128x384xi32>
      %and3A_109 = arith.andi %add3A_106, %and3A_108 : vector<128x384xi32>
      %bitcast_convert_type3A_110 = tpu.bitcast %and3A_109 : vector<128x384xi32> -> vector<128x384xf32>
      %add3A_111 = arith.addf %add3A_95, %bitcast_convert_type3A_110 : vector<128x384xf32>
      %slice3A_112 = vector.extract_strided_slice %get3A_65 {offsets = [3, 0], sizes = [1, 384], strides = [1, 1]} : vector<8x384xf32> to vector<1x384xf32>
      %mul3A_113 = vector.broadcast %get3A_21 : vector<128x1xf32> to vector<128x384xf32>
      %mul3A_114 = vector.broadcast %slice3A_112 : vector<1x384xf32> to vector<128x384xf32>
      %mul3A_115 = arith.mulf %mul3A_113, %mul3A_114 : vector<128x384xf32>
      %max3A_116 = arith.constant 0.000000e+00 : f32
      %max3A_117 = vector.broadcast %max3A_116 : f32 to vector<128x384xf32>
      %max3A_118 = arith.maximumf %mul3A_115, %max3A_117 : vector<128x384xf32>
      %bitcast_convert_type3A_119 = tpu.bitcast %max3A_118 : vector<128x384xf32> -> vector<128x384xi32>
      %add3A_120 = arith.constant 32768 : i32
      %add3A_121 = vector.broadcast %add3A_120 : i32 to vector<128x384xi32>
      %add3A_122 = arith.addi %bitcast_convert_type3A_119, %add3A_121 : vector<128x384xi32>
      %and3A_123 = arith.constant -65536 : i32
      %and3A_124 = vector.broadcast %and3A_123 : i32 to vector<128x384xi32>
      %and3A_125 = arith.andi %add3A_122, %and3A_124 : vector<128x384xi32>
      %bitcast_convert_type3A_126 = tpu.bitcast %and3A_125 : vector<128x384xi32> -> vector<128x384xf32>
      %add3A_127 = arith.addf %add3A_111, %bitcast_convert_type3A_126 : vector<128x384xf32>
      %slice3A_128 = vector.extract_strided_slice %get3A_65 {offsets = [4, 0], sizes = [1, 384], strides = [1, 1]} : vector<8x384xf32> to vector<1x384xf32>
      %mul3A_129 = vector.broadcast %get3A_21 : vector<128x1xf32> to vector<128x384xf32>
      %mul3A_130 = vector.broadcast %slice3A_128 : vector<1x384xf32> to vector<128x384xf32>
      %mul3A_131 = arith.mulf %mul3A_129, %mul3A_130 : vector<128x384xf32>
      %max3A_132 = arith.constant 0.000000e+00 : f32
      %max3A_133 = vector.broadcast %max3A_132 : f32 to vector<128x384xf32>
      %max3A_134 = arith.maximumf %mul3A_131, %max3A_133 : vector<128x384xf32>
      %bitcast_convert_type3A_135 = tpu.bitcast %max3A_134 : vector<128x384xf32> -> vector<128x384xi32>
      %add3A_136 = arith.constant 32768 : i32
      %add3A_137 = vector.broadcast %add3A_136 : i32 to vector<128x384xi32>
      %add3A_138 = arith.addi %bitcast_convert_type3A_135, %add3A_137 : vector<128x384xi32>
      %and3A_139 = arith.constant -65536 : i32
      %and3A_140 = vector.broadcast %and3A_139 : i32 to vector<128x384xi32>
      %and3A_141 = arith.andi %add3A_138, %and3A_140 : vector<128x384xi32>
      %bitcast_convert_type3A_142 = tpu.bitcast %and3A_141 : vector<128x384xi32> -> vector<128x384xf32>
      %add3A_143 = arith.addf %add3A_127, %bitcast_convert_type3A_142 : vector<128x384xf32>
      %slice3A_144 = vector.extract_strided_slice %get3A_65 {offsets = [5, 0], sizes = [1, 384], strides = [1, 1]} : vector<8x384xf32> to vector<1x384xf32>
      %mul3A_145 = vector.broadcast %get3A_21 : vector<128x1xf32> to vector<128x384xf32>
      %mul3A_146 = vector.broadcast %slice3A_144 : vector<1x384xf32> to vector<128x384xf32>
      %mul3A_147 = arith.mulf %mul3A_145, %mul3A_146 : vector<128x384xf32>
      %max3A_148 = arith.constant 0.000000e+00 : f32
      %max3A_149 = vector.broadcast %max3A_148 : f32 to vector<128x384xf32>
      %max3A_150 = arith.maximumf %mul3A_147, %max3A_149 : vector<128x384xf32>
      %bitcast_convert_type3A_151 = tpu.bitcast %max3A_150 : vector<128x384xf32> -> vector<128x384xi32>
      %add3A_152 = arith.constant 32768 : i32
      %add3A_153 = vector.broadcast %add3A_152 : i32 to vector<128x384xi32>
      %add3A_154 = arith.addi %bitcast_convert_type3A_151, %add3A_153 : vector<128x384xi32>
      %and3A_155 = arith.constant -65536 : i32
      %and3A_156 = vector.broadcast %and3A_155 : i32 to vector<128x384xi32>
      %and3A_157 = arith.andi %add3A_154, %and3A_156 : vector<128x384xi32>
      %bitcast_convert_type3A_158 = tpu.bitcast %and3A_157 : vector<128x384xi32> -> vector<128x384xf32>
      %add3A_159 = arith.addf %add3A_143, %bitcast_convert_type3A_158 : vector<128x384xf32>
      %slice3A_160 = vector.extract_strided_slice %get3A_65 {offsets = [6, 0], sizes = [1, 384], strides = [1, 1]} : vector<8x384xf32> to vector<1x384xf32>
      %mul3A_161 = vector.broadcast %get3A_21 : vector<128x1xf32> to vector<128x384xf32>
      %mul3A_162 = vector.broadcast %slice3A_160 : vector<1x384xf32> to vector<128x384xf32>
      %mul3A_163 = arith.mulf %mul3A_161, %mul3A_162 : vector<128x384xf32>
      %max3A_164 = arith.constant 0.000000e+00 : f32
      %max3A_165 = vector.broadcast %max3A_164 : f32 to vector<128x384xf32>
      %max3A_166 = arith.maximumf %mul3A_163, %max3A_165 : vector<128x384xf32>
      %bitcast_convert_type3A_167 = tpu.bitcast %max3A_166 : vector<128x384xf32> -> vector<128x384xi32>
      %add3A_168 = arith.constant 32768 : i32
      %add3A_169 = vector.broadcast %add3A_168 : i32 to vector<128x384xi32>
      %add3A_170 = arith.addi %bitcast_convert_type3A_167, %add3A_169 : vector<128x384xi32>
      %and3A_171 = arith.constant -65536 : i32
      %and3A_172 = vector.broadcast %and3A_171 : i32 to vector<128x384xi32>
      %and3A_173 = arith.andi %add3A_170, %and3A_172 : vector<128x384xi32>
      %bitcast_convert_type3A_174 = tpu.bitcast %and3A_173 : vector<128x384xi32> -> vector<128x384xf32>
      %add3A_175 = arith.addf %add3A_159, %bitcast_convert_type3A_174 : vector<128x384xf32>
      %slice3A_176 = vector.extract_strided_slice %get3A_65 {offsets = [7, 0], sizes = [1, 384], strides = [1, 1]} : vector<8x384xf32> to vector<1x384xf32>
      %mul3A_177 = vector.broadcast %get3A_21 : vector<128x1xf32> to vector<128x384xf32>
      %mul3A_178 = vector.broadcast %slice3A_176 : vector<1x384xf32> to vector<128x384xf32>
      %mul3A_179 = arith.mulf %mul3A_177, %mul3A_178 : vector<128x384xf32>
      %max3A_180 = arith.constant 0.000000e+00 : f32
      %max3A_181 = vector.broadcast %max3A_180 : f32 to vector<128x384xf32>
      %max3A_182 = arith.maximumf %mul3A_179, %max3A_181 : vector<128x384xf32>
      %bitcast_convert_type3A_183 = tpu.bitcast %max3A_182 : vector<128x384xf32> -> vector<128x384xi32>
      %add3A_184 = arith.constant 32768 : i32
      %add3A_185 = vector.broadcast %add3A_184 : i32 to vector<128x384xi32>
      %add3A_186 = arith.addi %bitcast_convert_type3A_183, %add3A_185 : vector<128x384xi32>
      %and3A_187 = arith.constant -65536 : i32
      %and3A_188 = vector.broadcast %and3A_187 : i32 to vector<128x384xi32>
      %and3A_189 = arith.andi %add3A_186, %and3A_188 : vector<128x384xi32>
      %bitcast_convert_type3A_190 = tpu.bitcast %and3A_189 : vector<128x384xi32> -> vector<128x384xf32>
      %add3A_191 = arith.addf %add3A_175, %bitcast_convert_type3A_190 : vector<128x384xf32>
      scf.yield %add3A_191 : vector<128x384xf32>
    }
    %scan3A_29 = arith.constant 48 : i32
    %get3A_30 = arith.constant 384 : index
    %get3A_31 = arith.constant 0 : index
    %get3A_32 = vector.load %arg1[%get3A_30, %get3A_31] : memref<512x1xf32, #tpu.memory_space<vmem>>, vector<128x1xf32>
    %broadcast_in_dim3A_33 = arith.constant 0.000000e+00 : f32
    %broadcast_in_dim3A_34 = vector.broadcast %broadcast_in_dim3A_33 : f32 to vector<128x384xf32>
    %scan3A_35 = arith.constant 0 : i32
    %scan3A_36 = arith.constant 48 : i32
    %scan3A_37 = arith.addi %scan3A_35, %scan3A_36 : i32
    %scan3A_38 = arith.constant 1 : i32
    %scan3A_39 = scf.for %scan3A_59 = %scan3A_35 to %scan3A_37 step %scan3A_38 iter_args(%scan3A_60 = %broadcast_in_dim3A_34) -> (vector<128x384xf32>)  : i32 {
      %mul3A_61 = arith.constant 8 : i32
      %mul3A_62 = arith.muli %scan3A_59, %mul3A_61 : i32
      %get3A_63 = arith.index_cast %mul3A_62 : i32 to index
      %get3A_64 = arith.constant 0 : index
      %get3A_65 = vector.load %arg0[%get3A_63, %get3A_64] : memref<384x384xf32, #tpu.memory_space<vmem>>, vector<8x384xf32>
      %slice3A = vector.extract_strided_slice %get3A_65 {offsets = [0, 0], sizes = [1, 384], strides = [1, 1]} : vector<8x384xf32> to vector<1x384xf32>
      %mul3A_66 = vector.broadcast %get3A_32 : vector<128x1xf32> to vector<128x384xf32>
      %mul3A_67 = vector.broadcast %slice3A : vector<1x384xf32> to vector<128x384xf32>
      %mul3A_68 = arith.mulf %mul3A_66, %mul3A_67 : vector<128x384xf32>
      %max3A = arith.constant 0.000000e+00 : f32
      %max3A_69 = vector.broadcast %max3A : f32 to vector<128x384xf32>
      %max3A_70 = arith.maximumf %mul3A_68, %max3A_69 : vector<128x384xf32>
      %bitcast_convert_type3A_71 = tpu.bitcast %max3A_70 : vector<128x384xf32> -> vector<128x384xi32>
      %add3A_72 = arith.constant 32768 : i32
      %add3A_73 = vector.broadcast %add3A_72 : i32 to vector<128x384xi32>
      %add3A_74 = arith.addi %bitcast_convert_type3A_71, %add3A_73 : vector<128x384xi32>
      %and3A_75 = arith.constant -65536 : i32
      %and3A_76 = vector.broadcast %and3A_75 : i32 to vector<128x384xi32>
      %and3A_77 = arith.andi %add3A_74, %and3A_76 : vector<128x384xi32>
      %bitcast_convert_type3A_78 = tpu.bitcast %and3A_77 : vector<128x384xi32> -> vector<128x384xf32>
      %add3A_79 = arith.addf %scan3A_60, %bitcast_convert_type3A_78 : vector<128x384xf32>
      %slice3A_80 = vector.extract_strided_slice %get3A_65 {offsets = [1, 0], sizes = [1, 384], strides = [1, 1]} : vector<8x384xf32> to vector<1x384xf32>
      %mul3A_81 = vector.broadcast %get3A_32 : vector<128x1xf32> to vector<128x384xf32>
      %mul3A_82 = vector.broadcast %slice3A_80 : vector<1x384xf32> to vector<128x384xf32>
      %mul3A_83 = arith.mulf %mul3A_81, %mul3A_82 : vector<128x384xf32>
      %max3A_84 = arith.constant 0.000000e+00 : f32
      %max3A_85 = vector.broadcast %max3A_84 : f32 to vector<128x384xf32>
      %max3A_86 = arith.maximumf %mul3A_83, %max3A_85 : vector<128x384xf32>
      %bitcast_convert_type3A_87 = tpu.bitcast %max3A_86 : vector<128x384xf32> -> vector<128x384xi32>
      %add3A_88 = arith.constant 32768 : i32
      %add3A_89 = vector.broadcast %add3A_88 : i32 to vector<128x384xi32>
      %add3A_90 = arith.addi %bitcast_convert_type3A_87, %add3A_89 : vector<128x384xi32>
      %and3A_91 = arith.constant -65536 : i32
      %and3A_92 = vector.broadcast %and3A_91 : i32 to vector<128x384xi32>
      %and3A_93 = arith.andi %add3A_90, %and3A_92 : vector<128x384xi32>
      %bitcast_convert_type3A_94 = tpu.bitcast %and3A_93 : vector<128x384xi32> -> vector<128x384xf32>
      %add3A_95 = arith.addf %add3A_79, %bitcast_convert_type3A_94 : vector<128x384xf32>
      %slice3A_96 = vector.extract_strided_slice %get3A_65 {offsets = [2, 0], sizes = [1, 384], strides = [1, 1]} : vector<8x384xf32> to vector<1x384xf32>
      %mul3A_97 = vector.broadcast %get3A_32 : vector<128x1xf32> to vector<128x384xf32>
      %mul3A_98 = vector.broadcast %slice3A_96 : vector<1x384xf32> to vector<128x384xf32>
      %mul3A_99 = arith.mulf %mul3A_97, %mul3A_98 : vector<128x384xf32>
      %max3A_100 = arith.constant 0.000000e+00 : f32
      %max3A_101 = vector.broadcast %max3A_100 : f32 to vector<128x384xf32>
      %max3A_102 = arith.maximumf %mul3A_99, %max3A_101 : vector<128x384xf32>
      %bitcast_convert_type3A_103 = tpu.bitcast %max3A_102 : vector<128x384xf32> -> vector<128x384xi32>
      %add3A_104 = arith.constant 32768 : i32
      %add3A_105 = vector.broadcast %add3A_104 : i32 to vector<128x384xi32>
      %add3A_106 = arith.addi %bitcast_convert_type3A_103, %add3A_105 : vector<128x384xi32>
      %and3A_107 = arith.constant -65536 : i32
      %and3A_108 = vector.broadcast %and3A_107 : i32 to vector<128x384xi32>
      %and3A_109 = arith.andi %add3A_106, %and3A_108 : vector<128x384xi32>
      %bitcast_convert_type3A_110 = tpu.bitcast %and3A_109 : vector<128x384xi32> -> vector<128x384xf32>
      %add3A_111 = arith.addf %add3A_95, %bitcast_convert_type3A_110 : vector<128x384xf32>
      %slice3A_112 = vector.extract_strided_slice %get3A_65 {offsets = [3, 0], sizes = [1, 384], strides = [1, 1]} : vector<8x384xf32> to vector<1x384xf32>
      %mul3A_113 = vector.broadcast %get3A_32 : vector<128x1xf32> to vector<128x384xf32>
      %mul3A_114 = vector.broadcast %slice3A_112 : vector<1x384xf32> to vector<128x384xf32>
      %mul3A_115 = arith.mulf %mul3A_113, %mul3A_114 : vector<128x384xf32>
      %max3A_116 = arith.constant 0.000000e+00 : f32
      %max3A_117 = vector.broadcast %max3A_116 : f32 to vector<128x384xf32>
      %max3A_118 = arith.maximumf %mul3A_115, %max3A_117 : vector<128x384xf32>
      %bitcast_convert_type3A_119 = tpu.bitcast %max3A_118 : vector<128x384xf32> -> vector<128x384xi32>
      %add3A_120 = arith.constant 32768 : i32
      %add3A_121 = vector.broadcast %add3A_120 : i32 to vector<128x384xi32>
      %add3A_122 = arith.addi %bitcast_convert_type3A_119, %add3A_121 : vector<128x384xi32>
      %and3A_123 = arith.constant -65536 : i32
      %and3A_124 = vector.broadcast %and3A_123 : i32 to vector<128x384xi32>
      %and3A_125 = arith.andi %add3A_122, %and3A_124 : vector<128x384xi32>
      %bitcast_convert_type3A_126 = tpu.bitcast %and3A_125 : vector<128x384xi32> -> vector<128x384xf32>
      %add3A_127 = arith.addf %add3A_111, %bitcast_convert_type3A_126 : vector<128x384xf32>
      %slice3A_128 = vector.extract_strided_slice %get3A_65 {offsets = [4, 0], sizes = [1, 384], strides = [1, 1]} : vector<8x384xf32> to vector<1x384xf32>
      %mul3A_129 = vector.broadcast %get3A_32 : vector<128x1xf32> to vector<128x384xf32>
      %mul3A_130 = vector.broadcast %slice3A_128 : vector<1x384xf32> to vector<128x384xf32>
      %mul3A_131 = arith.mulf %mul3A_129, %mul3A_130 : vector<128x384xf32>
      %max3A_132 = arith.constant 0.000000e+00 : f32
      %max3A_133 = vector.broadcast %max3A_132 : f32 to vector<128x384xf32>
      %max3A_134 = arith.maximumf %mul3A_131, %max3A_133 : vector<128x384xf32>
      %bitcast_convert_type3A_135 = tpu.bitcast %max3A_134 : vector<128x384xf32> -> vector<128x384xi32>
      %add3A_136 = arith.constant 32768 : i32
      %add3A_137 = vector.broadcast %add3A_136 : i32 to vector<128x384xi32>
      %add3A_138 = arith.addi %bitcast_convert_type3A_135, %add3A_137 : vector<128x384xi32>
      %and3A_139 = arith.constant -65536 : i32
      %and3A_140 = vector.broadcast %and3A_139 : i32 to vector<128x384xi32>
      %and3A_141 = arith.andi %add3A_138, %and3A_140 : vector<128x384xi32>
      %bitcast_convert_type3A_142 = tpu.bitcast %and3A_141 : vector<128x384xi32> -> vector<128x384xf32>
      %add3A_143 = arith.addf %add3A_127, %bitcast_convert_type3A_142 : vector<128x384xf32>
      %slice3A_144 = vector.extract_strided_slice %get3A_65 {offsets = [5, 0], sizes = [1, 384], strides = [1, 1]} : vector<8x384xf32> to vector<1x384xf32>
      %mul3A_145 = vector.broadcast %get3A_32 : vector<128x1xf32> to vector<128x384xf32>
      %mul3A_146 = vector.broadcast %slice3A_144 : vector<1x384xf32> to vector<128x384xf32>
      %mul3A_147 = arith.mulf %mul3A_145, %mul3A_146 : vector<128x384xf32>
      %max3A_148 = arith.constant 0.000000e+00 : f32
      %max3A_149 = vector.broadcast %max3A_148 : f32 to vector<128x384xf32>
      %max3A_150 = arith.maximumf %mul3A_147, %max3A_149 : vector<128x384xf32>
      %bitcast_convert_type3A_151 = tpu.bitcast %max3A_150 : vector<128x384xf32> -> vector<128x384xi32>
      %add3A_152 = arith.constant 32768 : i32
      %add3A_153 = vector.broadcast %add3A_152 : i32 to vector<128x384xi32>
      %add3A_154 = arith.addi %bitcast_convert_type3A_151, %add3A_153 : vector<128x384xi32>
      %and3A_155 = arith.constant -65536 : i32
      %and3A_156 = vector.broadcast %and3A_155 : i32 to vector<128x384xi32>
      %and3A_157 = arith.andi %add3A_154, %and3A_156 : vector<128x384xi32>
      %bitcast_convert_type3A_158 = tpu.bitcast %and3A_157 : vector<128x384xi32> -> vector<128x384xf32>
      %add3A_159 = arith.addf %add3A_143, %bitcast_convert_type3A_158 : vector<128x384xf32>
      %slice3A_160 = vector.extract_strided_slice %get3A_65 {offsets = [6, 0], sizes = [1, 384], strides = [1, 1]} : vector<8x384xf32> to vector<1x384xf32>
      %mul3A_161 = vector.broadcast %get3A_32 : vector<128x1xf32> to vector<128x384xf32>
      %mul3A_162 = vector.broadcast %slice3A_160 : vector<1x384xf32> to vector<128x384xf32>
      %mul3A_163 = arith.mulf %mul3A_161, %mul3A_162 : vector<128x384xf32>
      %max3A_164 = arith.constant 0.000000e+00 : f32
      %max3A_165 = vector.broadcast %max3A_164 : f32 to vector<128x384xf32>
      %max3A_166 = arith.maximumf %mul3A_163, %max3A_165 : vector<128x384xf32>
      %bitcast_convert_type3A_167 = tpu.bitcast %max3A_166 : vector<128x384xf32> -> vector<128x384xi32>
      %add3A_168 = arith.constant 32768 : i32
      %add3A_169 = vector.broadcast %add3A_168 : i32 to vector<128x384xi32>
      %add3A_170 = arith.addi %bitcast_convert_type3A_167, %add3A_169 : vector<128x384xi32>
      %and3A_171 = arith.constant -65536 : i32
      %and3A_172 = vector.broadcast %and3A_171 : i32 to vector<128x384xi32>
      %and3A_173 = arith.andi %add3A_170, %and3A_172 : vector<128x384xi32>
      %bitcast_convert_type3A_174 = tpu.bitcast %and3A_173 : vector<128x384xi32> -> vector<128x384xf32>
      %add3A_175 = arith.addf %add3A_159, %bitcast_convert_type3A_174 : vector<128x384xf32>
      %slice3A_176 = vector.extract_strided_slice %get3A_65 {offsets = [7, 0], sizes = [1, 384], strides = [1, 1]} : vector<8x384xf32> to vector<1x384xf32>
      %mul3A_177 = vector.broadcast %get3A_32 : vector<128x1xf32> to vector<128x384xf32>
      %mul3A_178 = vector.broadcast %slice3A_176 : vector<1x384xf32> to vector<128x384xf32>
      %mul3A_179 = arith.mulf %mul3A_177, %mul3A_178 : vector<128x384xf32>
      %max3A_180 = arith.constant 0.000000e+00 : f32
      %max3A_181 = vector.broadcast %max3A_180 : f32 to vector<128x384xf32>
      %max3A_182 = arith.maximumf %mul3A_179, %max3A_181 : vector<128x384xf32>
      %bitcast_convert_type3A_183 = tpu.bitcast %max3A_182 : vector<128x384xf32> -> vector<128x384xi32>
      %add3A_184 = arith.constant 32768 : i32
      %add3A_185 = vector.broadcast %add3A_184 : i32 to vector<128x384xi32>
      %add3A_186 = arith.addi %bitcast_convert_type3A_183, %add3A_185 : vector<128x384xi32>
      %and3A_187 = arith.constant -65536 : i32
      %and3A_188 = vector.broadcast %and3A_187 : i32 to vector<128x384xi32>
      %and3A_189 = arith.andi %add3A_186, %and3A_188 : vector<128x384xi32>
      %bitcast_convert_type3A_190 = tpu.bitcast %and3A_189 : vector<128x384xi32> -> vector<128x384xf32>
      %add3A_191 = arith.addf %add3A_175, %bitcast_convert_type3A_190 : vector<128x384xf32>
      scf.yield %add3A_191 : vector<128x384xf32>
    }
    %scan3A_40 = arith.constant 48 : i32
    %concatenate3A = tpu.concatenate %scan3A_6, %scan3A_17, %scan3A_28, %scan3A_39 in 0 : vector<128x384xf32>, vector<128x384xf32>, vector<128x384xf32>, vector<128x384xf32> -> vector<512x384xf32>
    %get3A_41 = arith.constant 0 : index
    %get3A_42 = arith.constant 0 : index
    %get3A_43 = vector.load %arg3[%get3A_41, %get3A_42] : memref<512x512xf32, #tpu.memory_space<vmem>>, vector<512x512xf32>
    %bitcast_convert_type3A = tpu.bitcast %get3A_43 : vector<512x512xf32> -> vector<512x512xi32>
    %add3A = arith.constant 32768 : i32
    %add3A_44 = vector.broadcast %add3A : i32 to vector<512x512xi32>
    %add3A_45 = arith.addi %bitcast_convert_type3A, %add3A_44 : vector<512x512xi32>
    %and3A = arith.constant -65536 : i32
    %and3A_46 = vector.broadcast %and3A : i32 to vector<512x512xi32>
    %and3A_47 = arith.andi %add3A_45, %and3A_46 : vector<512x512xi32>
    %bitcast_convert_type3A_48 = tpu.bitcast %and3A_47 : vector<512x512xi32> -> vector<512x512xf32>
    %dot_general3A = arith.constant dense<0.000000e+00> : vector<384x512xf32>
    %dot_general3A_49 = tpu.matmul %concatenate3A, %bitcast_convert_type3A_48, %dot_general3A {dimension_numbers = #tpu.dot_dimension_numbers<[0], [0], [1], [1], [0, 1, 1, 1], [], []>, precision = #tpu.contract_precision<fp32>, transpose_lhs_hint = false} : vector<512x384xf32>, vector<512x512xf32>, vector<384x512xf32> -> vector<384x512xf32>
    %get3A_50 = arith.constant 0 : index
    %get3A_51 = arith.constant 0 : index
    %get3A_52 = vector.load %arg4[%get3A_50, %get3A_51] : memref<1x512xf32, #tpu.memory_space<vmem>>, vector<1x512xf32>
    %mul3A = arith.constant 3.830000e+02 : f32
    %mul3A_53 = vector.broadcast %mul3A : f32 to vector<1x512xf32>
    %mul3A_54 = arith.mulf %mul3A_53, %get3A_52 : vector<1x512xf32>
    %add3A_55 = vector.broadcast %mul3A_54 : vector<1x512xf32> to vector<384x512xf32>
    %add3A_56 = arith.addf %dot_general3A_49, %add3A_55 : vector<384x512xf32>
    %swap3A = arith.constant 0 : index
    %swap3A_57 = arith.constant 0 : index
    %swap3A_58 = vector.load %arg5[%swap3A, %swap3A_57] : memref<384x512xf32, #tpu.memory_space<vmem>>, vector<384x512xf32>
    tpu.vector_store %arg5[%swap3A, %swap3A_57], %add3A_56 {strides = array<i32>} : memref<384x512xf32, #tpu.memory_space<vmem>>, vector<384x512xf32>,
    return
  }
}

</mosaic_0001>

<sc_bundles>
// kernel: kernel.4.cloned.1.call-start
scs
__scs_entry_jumppad:
0x0: {  	(pc) =	sbr.rel $0x88, $3  }
0x1: {  	(tag) =	ssettag $0x0;
	lr =	simm.s32 $0x1  }
0x2: {  	[smem:$0x3F97] =	sst lr;
	_ =	strace $0xD0000000  }
0x3: {  	_ = 	snop  }
0x4: {  	_ = 	snop  }
0x5: {  	_ = 	snop  }
0x6: {  	_ = 	snop  }
0x7: {  	_ = 	snop  }
__scs_overlays_trampoline_lowered:
0x8: {  	[smem:$0x3FA6] =	sst s0  }
0x9: {  	[smem:$0x3FA7] =	sst s1  }
0xa: {  	[smem:$0x3FA8] =	sst s2  }
0xb: {  	[smem:$0x3FA9] =	sst s3  }
0xc: {  	[smem:$0x3FAA] =	sst s4  }
0xd: {  	[smem:$0x3FAB] =	sst s5  }
0xe: {  	[smem:$0x3FAC] =	sst s6  }
0xf: {  	[smem:$0x3FAD] =	sst s7  }
0x10: {  	[smem:$0x3FAE] =	sst s8  }
0x11: {  	[smem:$0x3FAF] =	sst s9;
	s0 =	simm.s32 @!p0 $0x0  }
0x12: {  	s1 =	sld [smem:$0x3F95];
	s0 =	simm.s32 @p0 $0x1  }
0x13: {  	[smem:$0x3FB0] =	sst s0;
	s0 =	simm.s32 @!p1 $0x0  }
0x14: {  	s2 =	sld [smem:$0x3F94];
	s0 =	simm.s32 @p1 $0x1  }
0x15: {  	[smem:$0x3FB1] =	sst s0;
	s0 =	simm.s32 @!p2 $0x0  }
0x16: {  	s3 =	sld [smem:$0x3FDB];
	s0 =	simm.s32 @p2 $0x1  }
0x17: {  	s4 =	simm.s32 $0x1BF5;
	[smem:$0x3FB3] =	sst s0  }
0x18: {  	s0 =	sld [smem:$0x3F96];
	_ =	swait.ge [sflag:s4], $0x0  }
0x19: {  	s7 =	sld [smem:$0x3F97]  }
0x1a: {  	s8 =	sadd.s32 $0xFFFFE003, lr  }
0x1b: {  	s9 =	sadd.s32 $0xFFFFFEF7, lr;
	s5 =	simm.s32 $0xFFFFFFFF;
	p2 =	slt.u32 s8, $0xFFFFF086  }
0x1c: {  	p1 =	slt.u32 s9, $0xF7A;
	s5 =	simm.s32 @!p2 $0x0  }
0x1d: {  	s5 =	simm.s32 @p1 $0x1;
	p0 =	seq.s32 s7, s2  }
0x1e: {  	s7 =	smul.u32 @!p0 $0xF7A, s2;
	p2 =	seq.s32 @!p0 s5, $0x0  }
0x1f: {  	s9 =	smul.u32 $0xF7A, s1;
	s8 =	simm.s32 @!p0 $0x1BF5;
	p2 =	por !p2, p0  }
0x20: {  	[sflag:s8] =	ssyncset.s32 @!p0 $0xFFFFF086;
	s6 =	sadd.s32 @!p0 s3, s7;
	s7 =	simm.s32 @!p0 $0x108  }
0x21: {  	s3 =	sadd.s32 s3, s9;
	s6 =	sadd.s32 @!p0 $0x88, s6;
	s7 =	simm.s32 @p2 $0x1082  }
0x22: {  	[simem:s7], [sflag:s8] =	dma.local @!p0 [hbm:s6], $0xF7A  }
0x23: {  	s9 =	sor.u32 $0xD0000000, s2;
	s6 =	simm.s32 $0x108;
	_ =	swait.ge @!p0 [sflag:s8], $0x0  }
0x24: {  	s3 =	sadd.s32 $0x88, s3;
	s6 =	simm.s32 @!p1 $0x1082;
	[sflag:s4] =	ssyncset.s32 $0xFFFFF086  }
0x25: {  	[simem:s6], [sflag:s4] =	dma.local [hbm:s3], $0xF7A  }
0x26: {  	[smem:$0x3F97] =	sst s1;
	(tag) =	ssettag s2;
	_ =	strace s9  }
0x27: {  	s1 =	sld [smem:$0x3FA7]  }
0x28: {  	s2 =	sld [smem:$0x3FA8]  }
0x29: {  	s4 =	sld [smem:$0x3FAA]  }
0x2a: {  	p0 =	seq.s32 s5, $0x0;
	s5 =	sld [smem:$0x3FAB]  }
0x2b: {  	s6 =	sld [smem:$0x3FAC]  }
0x2c: {  	s7 =	sld [smem:$0x3FAD]  }
0x2d: {  	s3 =	simm.s32 $0x108;
	s8 =	sld [smem:$0x3FAE]  }
0x2e: {  	s3 =	simm.s32 @!p0 $0x1082;
	s9 =	sld [smem:$0x3FAF]  }
0x2f: {  	lr =	sadd.s32 s0, s3;
	s0 =	sld [smem:$0x3FA6]  }
0x30: {  	s3 =	sld [smem:$0x3FA9]  }
0x31: {  	[smem:$0x3FB2] =	sst s10  }
0x32: {  	s10 =	sld [smem:$0x3FB0];
	_ =	sdelay $0x3  }
0x33: {  	p0 =	seq.s32 s10, $0x1;
	s10 =	sld [smem:$0x3FB2];
	_ =	sdelay $0x3  }
0x34: {  	[smem:$0x3FB2] =	sst s10  }
0x35: {  	s10 =	sld [smem:$0x3FB1];
	_ =	sdelay $0x3  }
0x36: {  	p1 =	seq.s32 s10, $0x1;
	s10 =	sld [smem:$0x3FB2];
	_ =	sdelay $0x3  }
0x37: {  	[smem:$0x3FB2] =	sst s10  }
0x38: {  	s10 =	sld [smem:$0x3FB3]  }
0x39: {  	_ = 	snop;
	(pc) =	sbr.ind lr, $3  }
0x3a: {  	_ = 	snop  }
0x3b: {  	_ = 	snop  }
0x3c: {  	p2 =	seq.s32 s10, $0x1;
	s10 =	sld [smem:$0x3FB2]  }
0x3d: {  	_ =	shalt  }
0x3e: {  	_ =	shalt  }
0x3f: {  	_ =	shalt  }
0x40: {  	_ =	shalt  }
0x41: {  	_ =	shalt  }
0x42: {  	_ =	shalt  }
0x43: {  	_ =	shalt  }
0x44: {  	_ =	shalt  }
0x45: {  	_ =	shalt  }
0x46: {  	_ =	shalt  }
0x47: {  	_ =	shalt  }
0x48: {  	_ =	shalt  }
0x49: {  	_ =	shalt  }
0x4a: {  	_ =	shalt  }
0x4b: {  	_ =	shalt  }
0x4c: {  	_ =	shalt  }
0x4d: {  	_ =	shalt  }
0x4e: {  	_ =	shalt  }
0x4f: {  	_ =	shalt  }
0x50: {  	_ =	shalt  }
0x51: {  	_ =	shalt  }
0x52: {  	_ =	shalt  }
0x53: {  	_ =	shalt  }
0x54: {  	_ =	shalt  }
0x55: {  	_ =	shalt  }
0x56: {  	_ =	shalt  }
0x57: {  	_ =	shalt  }
0x58: {  	_ =	shalt  }
0x59: {  	_ =	shalt  }
0x5a: {  	_ =	shalt  }
0x5b: {  	_ =	shalt  }
0x5c: {  	_ =	shalt  }
0x5d: {  	_ =	shalt  }
0x5e: {  	_ =	shalt  }
0x5f: {  	_ =	shalt  }
0x60: {  	_ =	shalt  }
0x61: {  	_ =	shalt  }
0x62: {  	_ =	shalt  }
0x63: {  	_ =	shalt  }
0x64: {  	_ =	shalt  }
0x65: {  	_ =	shalt  }
0x66: {  	_ =	shalt  }
0x67: {  	_ =	shalt  }
0x68: {  	_ =	shalt  }
0x69: {  	_ =	shalt  }
0x6a: {  	_ =	shalt  }
0x6b: {  	_ =	shalt  }
0x6c: {  	_ =	shalt  }
0x6d: {  	_ =	shalt  }
0x6e: {  	_ =	shalt  }
0x6f: {  	_ =	shalt  }
0x70: {  	_ =	shalt  }
0x71: {  	_ =	shalt  }
0x72: {  	_ =	shalt  }
0x73: {  	_ =	shalt  }
0x74: {  	_ =	shalt  }
0x75: {  	_ =	shalt  }
0x76: {  	_ =	shalt  }
0x77: {  	_ =	shalt  }
0x78: {  	_ =	shalt  }
0x79: {  	_ =	shalt  }
0x7a: {  	_ =	shalt  }
0x7b: {  	_ =	shalt  }
0x7c: {  	_ =	shalt  }
0x7d: {  	_ =	shalt  }
0x7e: {  	_ =	shalt  }
0x7f: {  	_ =	shalt  }
0x80: {  	_ =	shalt  }
0x81: {  	_ =	shalt  }
0x82: {  	_ =	shalt  }
0x83: {  	_ =	shalt  }
0x84: {  	_ =	shalt  }
0x85: {  	_ =	shalt  }
0x86: {  	_ =	shalt  }
0x87: {  	_ =	shalt  }
.Lfunc_end0:
.L_simem_size_0:
called_computation_lowered:
.L_overlay_start_0:
0x88: {  	s2 =	sld [smem:$0x3FD9]  }
0x89: {  	s3 =	sld [smem:$0x3FFE];
	_ =	sdelay $0x1  }
0x8a: {  	s1 =	srdreg.scid  }
0x8b: {  	s0 =	sand.u32 $0x1, s1  }
0x8c: {  	s17 =	sshll.u32 s0, $0xA;
	s2 =	sadd.s32 s3, s2  }
0x8d: {  	s2 =	sadd.s32 s2, s17  }
0x8e: {  	[smem:$0x3FBE] =	sst s2  }
0x8f: {  	_ = 	snop  }
0x90: {  	s2 =	sld [smem:$0x3FD0];
	(tm) =	ssettm $0x1  }
0x91: {  	s18 =	sld [smem:$0x3FFB];
	_ =	sdelay $0x3  }
0x92: {  	_ =	strace s18  }
0x93: {  	s3 =	sld [smem:$0x3FFC];
	_ =	sdelay $0x3  }
0x94: {  	_ =	strace s3  }
0x95: {  	s3 =	sld [smem:$0x3FFD];
	_ =	sdelay $0x3  }
0x96: {  	_ =	strace s3  }
0x97: {  	_ =	strace $0x8FFFFFFF  }
0x98: {  	s19 =	sld [smem:$0x3FDB];
	_ =	sdelay $0x1  }
0x99: {  	s4 =	simm.s32 $_scs_section_size  }
0x9a: {  	s5 =	simm.s32 $_size__tile_overlayer_lowered;
	s6 =	simm.s32 $_tile_overlayer_lowered  }
0x9b: {  	s22 =	simm.s32 $0x1BFF;
	s21 =	sshll.u32 s6, $0x1;
	s3 =	sadd.s32 s4, s19  }
0x9c: {  	s7 =	simm.s32 $0x0;
	s20 =	sshll.u32 s5, $0x1;
	s5 =	sadd.s32 s21, s3  }
0x9d: {  	[timem:s7], [sflag:s22] =	dma.local [hbm:s5], s20  }
0x9e: {  	_ =	swait.ge [sflag:s22], s20  }
0x9f: {  	s4 =	ssub.s32 $0x0, s20;
	[sflag:s22] =	ssyncset.done $0x0  }
0xa0: {  	[sflag:s22] =	ssyncadd.s32 s4;
	_ =	sdelay $0x1  }
0xa1: {  	s23 =	simm.s32 $0x1B8B  }
0xa2: {  	_ =	swait.ge [sflag:s23], $0x1  }
0xa3: {  	[sflag:s23] =	ssyncset.done $0x0  }
0xa4: {  	s25 =	simm.s32 $0x1B8E;
	s24 =	sld [smem:$0x3FFE];
	[sflag:s23] =	ssyncadd.s32 $0xFFFFFFFF  }
0xa5: {  	s26 =	simm.s32 $execute0_lowered;
	[smem:$0x3FD2] =	sst s25  }
0xa6: {  	s5 =	sshll.u32 s26, $0x1;
	_ =	strace $0x80000046;
	[dreg:$0x1] =	wrdreg $0xFFFFFFFF  }
0xa7: {  	s28 =	simm.s32 $_size_execute0_lowered;
	s3 =	sadd.s32 s3, s5;
	[dreg:$0x0] =	wrdreg $0x0  }
0xa8: {  	s5 =	sshll.u32 s28, $0x1;
	[dreg:$0x2] =	wrdreg s3  }
0xa9: {  	[dreg:$0x3] =	wrdreg s5  }
0xaa: {  	[dreg:$0x4] =	wrdreg $0xC0  }
0xab: {  	_ =	task [dreg:s7], $0x5FFFF  }
0xac: {  	[dreg:$0x1] =	wrdreg $0xFFFFFFFF  }
0xad: {  	[dreg:$0x0] =	wrdreg $0x60  }
0xae: {  	[dreg:$0x2] =	wrdreg s24  }
0xaf: {  	[dreg:$0x3] =	wrdreg s2  }
0xb0: {  	[dreg:$0x4] =	wrdreg $0x9  }
0xb1: {  	_ =	task.clear_ibuf [dreg:s7], $0x5FFFF;
	_ =	strace $0x90000046  }
0xb2: {  	s29 =	simm.s32 $0x9;
	_ =	strace $0x80000048  }
0xb3: {  	_ =	swait.ge [sflag:s29], $0x1  }
0xb4: {  	[sflag:s29] =	ssyncadd.s32 $0xFFFFFFFF  }
0xb5: {  	_ =	strace $0x90000048  }
0xb6: {  	_ =	sfence  }
0xb7: {  	s30 =	sld [smem:$0x0];
	_ =	sdelay $0x2  }
0xb8: {  	s31 =	sshll.u32 s1, $0xD;
	s1 =	sshrl.u32 s1, $0x2  }
0xb9: {  	s3 =	sand.u32 $0x4000, s31;
	s1 =	sadd.s32 s1, s30  }
0xba: {  	s0 =	sor.u32 s3, s0;
	s1 =	sshll.u32 s1, $0x11  }
0xbb: {  	s0 =	sor.u32 s1, s0  }
0xbc: {  	s0 =	sadd.s32 $0x8F2B, s0  }
0xbd: {  	[sflag:s0] =	ssyncadd.remote.s32 $0x1  }
0xbe: {  	_ =	sfence.sel $0xFFFF  }
0xbf: {  	[dreg:$0x0] =	wrdreg $0xFFFFFFFF;
	(pc) =	sbr.abs _section_cstart, $3  }
0xc0: {  	[dreg:$0x1] =	wrdreg $0xFFFFFFFF  }
0xc1: {  	_ =	task.clear_ibuf [dreg:s7], $0x2FFFF;
	_ =	strace $0x9FFFFFFF  }
0xc2: {  	(tm) =	ssettm $0x7FFFFFFF  }
0xc3: {  	_ =	shalt  }
tec
execute0_lowered:
.L_overlay_start_1:
0x0: {  	(tag) =	ssettag $0x1  }
0x1: {  	s5 =	rddreg [dreg:$0x0]  }
0x2: {  	s2 =	rddreg [dreg:$0x1]  }
0x3: {  	s4 =	srdreg.scid;
	s1 =	stileid.u32;
	s3 =	simm.s32 $0x0  }
0x4: {  	s4 =	sand.u32 $0x1, s4;
	s6 =	sshll.u32 s1, $0x1;
	[smem:$0x7FF] =	sst s3  }
0x5: {  	s0 =	rddreg [dreg:$0x2];
	v0 =	vimm.f32 $2.000000000e+00;
	s6 =	sor.u32 s4, s6;
	_ =	strace $0x80000047  }
0x6: {  	v8 =	vlaneseq.u32;
	s7 =	smul.u32 $0xC, s6;
	(erf) = vrcp.f32 v0  }
0x7: {  	v13 =	vmul.u32 $0xFFFFFFFF, v8;
	s10 =	ssub.s32 $0x2, s4  }
0x8: {  	s4 =	sadd.s32 $0x400, s5;
	s12 =	sshrl.u32 s10, $0x1;
	v0 =	vmov s7;
	s8 =	sor.u32 $0x1, s7  }
0x9: {  	v13 =	vadd.s32 $0x17F, v13;
	s9 =	sor.u32 $0x2, s7;
	s22 =	sor.u32 $0x3, s7;
	s23 =	sadd.s32 $0x4, s7;
	v0 =	vbroadcast v0, $0x0;
	v1 =	vmov s8  }
0xa: {  	s11 =	sadd.s32 $0x5, s7;
	s24 =	sadd.s32 $0x6, s7;
	s26 =	sadd.s32 $0x7, s7;
	v2 =	vmov s9;
	v3 =	vmov s22;
	v4 =	vmov s23  }
0xb: {  	s6 =	smul.u32 $0x240, s6;
	s25 =	ssub.s32 s10, s12;
	s28 =	sadd.s32 $0x8, s7;
	v5 =	vmov s11;
	v6 =	vmov s24;
	v7 =	vmov s26  }
0xc: {  	s10 =	simm.s32 $0x300;
	s12 =	simm.s32 $0x0;
	s29 =	sadd.s32 $0x9, s7;
	v9 =	vmov s28;
	v1 =	vbroadcast v1, $0x0;
	v2 =	vbroadcast v2, $0x0  }
0xd: {  	s6 =	sadd.s32 s6, s5;
	s30 =	sadd.s32 $0xA, s7;
	s31 =	sadd.s32 $0xB, s7;
	v10 =	vmov s29;
	v4 =	vbroadcast v4, $0x0;
	v5 =	vbroadcast v5, $0x0  }
0xe: {  	s7 =	smax.u32 s25, $0x1;
	s5 =	sadd.s32 $0x600, s6;
	s6 =	sadd.s32 $0x4E00, s6;
	v8 =	vbroadcast v9, $0x0;
	v9 =	vbroadcast v10, $0x0;
	v10 =	vmov s30  }
0xf: {  	s8 =	simm.s32 $0x1;
	s9 =	simm.s32 $0x180;
	v11 =	vmov s31;
	s11 =	simm.s32 $0x1500;
	v6 =	vbroadcast v6, $0x0;
	v10 =	vbroadcast v10, $0x0;
	v12 =	vpop (erf)  }
.LBB2_1:
0x10: {  	[tilespmem:s3], [sflag:$0x1] =	stream.linear.gather [hbm4b:s4+s3], $0x180, $0x38;
	[tilespmem:$0x2700] =	vst v63  }
0x11: {  	_ =	swait.ge [sflag:s8], $0x180  }
0x12: {  	[sflag:s8] =	ssyncset.done $0x0  }
0x13: {  	[sflag:s8] =	ssyncadd.s32 $0xFFFFFE80  }
0x14: {  	[tilespmem:s9], [sflag:$0x1] =	stream.linear.gather [hbm4b:s2+s3], $0x180, $0x38;
	[tilespmem:$0x2700] =	vst v63  }
0x15: {  	_ =	swait.ge [sflag:s8], $0x180  }
0x16: {  	[sflag:s8] =	ssyncset.done $0x0  }
0x17: {  	[sflag:s8] =	ssyncadd.s32 $0xFFFFFE80  }
0x18: {  	[tilespmem:s10], [sflag:$0x1] =	stream.linear.gather [hbm4b:s5+s3], $0x1200, $0x38;
	[tilespmem:$0x2700] =	vst v63  }
0x19: {  	_ =	swait.ge [sflag:s8], $0x1200  }
0x1a: {  	[sflag:s8] =	ssyncset.done $0x0  }
0x1b: {  	[sflag:s8] =	ssyncadd.s32 $0xFFFFEE00  }
0x1c: {  	v14 =	vld.idx.msk [tilespmem:v0+s3+$0x0], $0xffff  }
0x1d: {  	v15 =	vld.idx.msk [tilespmem:v0+s9+$0x0], $0xffff  }
0x1e: {  	v16 =	vld.idx.msk [tilespmem:v1+s3+$0x0], $0xffff  }
0x1f: {  	v17 =	vld.idx.msk [tilespmem:v1+s9+$0x0], $0xffff  }
0x20: {  	v18 =	vld.idx.msk [tilespmem:v2+s3+$0x0], $0xffff  }
0x21: {  	v19 =	vld.idx.msk [tilespmem:v2+s9+$0x0], $0xffff  }
0x22: {  	v20 =	vld.idx.msk [tilespmem:v3+s3+$0x0], $0xffff  }
0x23: {  	v21 =	vld.idx.msk [tilespmem:v3+s9+$0x0], $0xffff  }
0x24: {  	v22 =	vld.idx.msk [tilespmem:v4+s3+$0x0], $0xffff  }
0x25: {  	v23 =	vld.idx.msk [tilespmem:v4+s9+$0x0], $0xffff  }
0x26: {  	v24 =	vld.idx.msk [tilespmem:v5+s3+$0x0], $0xffff  }
0x27: {  	v25 =	vld.idx.msk [tilespmem:v5+s9+$0x0], $0xffff  }
0x28: {  	v26 =	vld.idx.msk [tilespmem:v6+s3+$0x0], $0xffff  }
0x29: {  	v27 =	vld.idx.msk [tilespmem:v6+s9+$0x0], $0xffff  }
0x2a: {  	v28 =	vld.idx.msk [tilespmem:v7+s3+$0x0], $0xffff  }
0x2b: {  	v29 =	vld.idx.msk [tilespmem:v7+s9+$0x0], $0xffff  }
0x2c: {  	v30 =	vld.idx.msk [tilespmem:v8+s3+$0x0], $0xffff  }
0x2d: {  	v31 =	vld.idx.msk [tilespmem:v8+s9+$0x0], $0xffff  }
0x2e: {  	v32 =	vld.idx.msk [tilespmem:v9+s3+$0x0], $0xffff  }
0x2f: {  	v33 =	vld.idx.msk [tilespmem:v9+s9+$0x0], $0xffff  }
0x30: {  	v34 =	vld.idx.msk [tilespmem:v10+s3+$0x0], $0xffff  }
0x31: {  	v35 =	vld.idx.msk [tilespmem:v10+s9+$0x0], $0xffff  }
0x32: {  	v36 =	vld.idx.msk [tilespmem:v11+s3+$0x0], $0xffff  }
0x33: {  	s13 =	simm.s32 $0x900;
	s14 =	simm.s32 $0x1B00;
	s15 =	simm.s32 $0x0;
	v37 =	vld.idx.msk [tilespmem:v11+s9+$0x0], $0xffff  }
.LBB2_2:
0x34: {  	v38 =	vld [tilespmem:s13+$0xFFFFFA00];
	_ =	sdelay $0x7  }
0x35: {  	v39 =	vld.idx.msk [tilespmem:v38+s3+$0x0], $0xffff  }
0x36: {  	v38 =	vld.idx.msk [tilespmem:v38+s9+$0x0], $0xffff;
	_ =	sdelay $0x4  }
0x37: {  	v39 =	vsub.f32 v14, v39;
	v38 =	vsub.f32 v15, v38;
	_ =	sdelay $0x1  }
0x38: {  	v39 =	vadd.f32 $1.000000000e+00, v39;
	v38 =	vadd.f32 $1.000000000e+00, v38;
	_ =	sdelay $0x1  }
0x39: {  	v40 =	vand.u32 $0x7FFFFFFF, v39;
	v42 =	vand.u32 $0x7FFFFFFF, v38  }
0x3a: {  	v41 =	vmul.f32 v40, v12;
	v43 =	vmul.f32 v42, v12;
	_ =	sdelay $0x1  }
0x3b: {  	v41 =	vfloor.f32 v41;
	v43 =	vfloor.f32 v43  }
0x3c: {  	v41 =	vadd.f32 v41, v41;
	v43 =	vadd.f32 v43, v43;
	_ =	sdelay $0x1  }
0x3d: {  	v40 =	vsub.f32 v40, v41;
	v53 =	vsub.f32 v42, v43;
	_ =	sdelay $0x1  }
0x3e: {  	vm0 =	veq.f32 v40, $2.000000000e+00;
	vm7 =	veq.f32 v53, $2.000000000e+00  }
0x3f: {  	v39 =	vand.u32 $0x80000000, v39;
	v40 =	vsel vm0, $0x0, v40;
	v41 =	vsel vm7, $0x0, v53  }
0x40: {  	v38 =	vand.u32 $0x80000000, v38;
	v40 =	vand.u32 $0x7FFFFFFF, v40;
	v41 =	vand.u32 $0x7FFFFFFF, v41  }
0x41: {  	v39 =	vor.u32 v39, v40;
	v38 =	vor.u32 v38, v41  }
0x42: {  	v40 =	vadd.f32 $2.000000000e+00, v39;
	v41 =	vadd.f32 $2.000000000e+00, v38  }
0x43: {  	vm8 =	vlt.f32 v39, $0.0e+00;
	vm1 =	vlt.f32 v38, $0.0e+00  }
0x44: {  	v39 =	vsel vm8, v40, v39;
	v38 =	vsel vm1, v41, v38  }
0x45: {  	v39 =	vadd.f32 $-1.000000000e+00, v39;
	v38 =	vadd.f32 $-1.000000000e+00, v38;
	_ =	sdelay $0x1  }
0x46: {  	v39 =	vmul.f32 v39, v39;
	v38 =	vmul.f32 v38, v38;
	_ =	sdelay $0x1  }
0x47: {  	v38 =	vadd.f32 v38, v39;
	_ =	sdelay $0x1  }
0x48: {  	v39 =	vshra.s32 v38, $0x1  }
0x49: {  	v39 =	vadd.s32 $0x1FBD1DF5, v39  }
0x4a: {  	(erf) = vrcp.f32 v39;
	_ =	sdelay $0x8  }
0x4b: {  	v54 =	vpop (erf)  }
0x4c: {  	v40 =	vmul.f32 v54, v38;
	_ =	sdelay $0x1  }
0x4d: {  	v39 =	vadd.f32 v39, v40;
	_ =	sdelay $0x1  }
0x4e: {  	v39 =	vmul.f32 $5.000000000e-01, v39;
	_ =	sdelay $0x1  }
0x4f: {  	(erf) = vrcp.f32 v39;
	_ =	sdelay $0x8  }
0x50: {  	v55 =	vpop (erf)  }
0x51: {  	v40 =	vmul.f32 v55, v38;
	_ =	sdelay $0x1  }
0x52: {  	v39 =	vadd.f32 v40, v39;
	_ =	sdelay $0x1  }
0x53: {  	v39 =	vmul.f32 $5.000000000e-01, v39;
	_ =	sdelay $0x1  }
0x54: {  	(erf) = vrcp.f32 v39;
	_ =	sdelay $0x8  }
0x55: {  	v56 =	vpop (erf)  }
0x56: {  	v38 =	vmul.f32 v56, v38;
	_ =	sdelay $0x1  }
0x57: {  	v38 =	vadd.f32 v38, v39;
	_ =	sdelay $0x1  }
0x58: {  	v38 =	vmul.f32 $5.000000000e-01, v38;
	_ =	sdelay $0x1  }
0x59: {  	v38 =	vmul.f32 $-2.000000000e+00, v38;
	_ =	sdelay $0x1  }
0x5a: {  	v38 =	vmul.f32 $1.442695020e+00, v38;
	_ =	sdelay $0x1  }
0x5b: {  	(erf) = vpow2.f32 v38;
	_ =	sdelay $0x7  }
0x5c: {  	v57 =	vmov s15  }
0x5d: {  	vm0 =	vlt.u32 v57, v13;
	v58 =	vpop (erf)  }
0x5e: {  	v38 =	vnsel vm0, $0x0, v58  }
0x5f: {  	s16 =	sand.u32 $0x1F0, s15;
	[tilespmem:s14+$0xFFFFFA00] =	vst v38  }
0x60: {  	v38 =	vld [tilespmem:s16+$0x480];
	_ =	sdelay $0x7  }
0x61: {  	v59 =	vld.idx.msk [tilespmem:v38+s3+$0x0], $0xffff  }
0x62: {  	v38 =	vld.idx.msk [tilespmem:v38+s9+$0x0], $0xffff;
	_ =	sdelay $0x4  }
0x63: {  	v39 =	vsub.f32 v16, v59;
	v38 =	vsub.f32 v17, v38;
	_ =	sdelay $0x1  }
0x64: {  	v39 =	vadd.f32 $1.000000000e+00, v39;
	v38 =	vadd.f32 $1.000000000e+00, v38;
	_ =	sdelay $0x1  }
0x65: {  	v60 =	vand.u32 $0x7FFFFFFF, v39;
	v62 =	vand.u32 $0x7FFFFFFF, v38  }
0x66: {  	v61 =	vmul.f32 v60, v12;
	v63 =	vmul.f32 v62, v12;
	_ =	sdelay $0x1  }
0x67: {  	v41 =	vfloor.f32 v61;
	v43 =	vfloor.f32 v63  }
0x68: {  	v41 =	vadd.f32 v41, v41;
	v43 =	vadd.f32 v43, v43;
	_ =	sdelay $0x1  }
0x69: {  	v40 =	vsub.f32 v60, v41;
	v44 =	vsub.f32 v62, v43;
	_ =	sdelay $0x1  }
0x6a: {  	vm9 =	veq.f32 v40, $2.000000000e+00;
	vm10 =	veq.f32 v44, $2.000000000e+00  }
0x6b: {  	v39 =	vand.u32 $0x80000000, v39;
	v40 =	vsel vm9, $0x0, v40;
	v41 =	vsel vm10, $0x0, v44  }
0x6c: {  	v38 =	vand.u32 $0x80000000, v38;
	v40 =	vand.u32 $0x7FFFFFFF, v40;
	v41 =	vand.u32 $0x7FFFFFFF, v41  }
0x6d: {  	v39 =	vor.u32 v39, v40;
	v38 =	vor.u32 v38, v41  }
0x6e: {  	v40 =	vadd.f32 $2.000000000e+00, v39;
	v41 =	vadd.f32 $2.000000000e+00, v38  }
0x6f: {  	vm11 =	vlt.f32 v39, $0.0e+00;
	vm2 =	vlt.f32 v38, $0.0e+00  }
0x70: {  	v39 =	vsel vm11, v40, v39;
	v38 =	vsel vm2, v41, v38  }
0x71: {  	v39 =	vadd.f32 $-1.000000000e+00, v39;
	v38 =	vadd.f32 $-1.000000000e+00, v38;
	_ =	sdelay $0x1  }
0x72: {  	v39 =	vmul.f32 v39, v39;
	v38 =	vmul.f32 v38, v38;
	_ =	sdelay $0x1  }
0x73: {  	v38 =	vadd.f32 v38, v39;
	_ =	sdelay $0x1  }
0x74: {  	v39 =	vshra.s32 v38, $0x1  }
0x75: {  	v39 =	vadd.s32 $0x1FBD1DF5, v39  }
0x76: {  	(erf) = vrcp.f32 v39;
	_ =	sdelay $0x8  }
0x77: {  	v45 =	vpop (erf)  }
0x78: {  	v40 =	vmul.f32 v45, v38;
	_ =	sdelay $0x1  }
0x79: {  	v39 =	vadd.f32 v39, v40;
	_ =	sdelay $0x1  }
0x7a: {  	v39 =	vmul.f32 $5.000000000e-01, v39;
	_ =	sdelay $0x1  }
0x7b: {  	(erf) = vrcp.f32 v39;
	_ =	sdelay $0x8  }
0x7c: {  	v46 =	vpop (erf)  }
0x7d: {  	v40 =	vmul.f32 v46, v38;
	_ =	sdelay $0x1  }
0x7e: {  	v39 =	vadd.f32 v40, v39;
	_ =	sdelay $0x1  }
0x7f: {  	v39 =	vmul.f32 $5.000000000e-01, v39;
	_ =	sdelay $0x1  }
0x80: {  	(erf) = vrcp.f32 v39;
	_ =	sdelay $0x8  }
0x81: {  	v47 =	vpop (erf)  }
0x82: {  	v38 =	vmul.f32 v47, v38;
	_ =	sdelay $0x1  }
0x83: {  	v38 =	vadd.f32 v38, v39;
	_ =	sdelay $0x1  }
0x84: {  	v38 =	vmul.f32 $5.000000000e-01, v38;
	_ =	sdelay $0x1  }
0x85: {  	v38 =	vmul.f32 $-2.000000000e+00, v38;
	_ =	sdelay $0x1  }
0x86: {  	v38 =	vmul.f32 $1.442695020e+00, v38;
	_ =	sdelay $0x1  }
0x87: {  	(erf) = vpow2.f32 v38;
	_ =	sdelay $0x3  }
0x88: {  	v48 =	vld [tilespmem:s16+$0x600];
	_ =	sdelay $0x4  }
0x89: {  	v49 =	vpop (erf)  }
0x8a: {  	v39 =	vnsel vm0, $0x0, v49  }
0x8b: {  	[tilespmem:s16+$0x1680] =	vst v39  }
0x8c: {  	v39 =	vld.idx.msk [tilespmem:v48+s3+$0x0], $0xffff  }
0x8d: {  	v38 =	vld.idx.msk [tilespmem:v48+s9+$0x0], $0xffff;
	_ =	sdelay $0x4  }
0x8e: {  	v39 =	vsub.f32 v18, v39;
	v38 =	vsub.f32 v19, v38;
	_ =	sdelay $0x1  }
0x8f: {  	v39 =	vadd.f32 $1.000000000e+00, v39;
	v38 =	vadd.f32 $1.000000000e+00, v38;
	_ =	sdelay $0x1  }
0x90: {  	v50 =	vand.u32 $0x7FFFFFFF, v39;
	v52 =	vand.u32 $0x7FFFFFFF, v38  }
0x91: {  	v51 =	vmul.f32 v50, v12;
	v53 =	vmul.f32 v52, v12;
	_ =	sdelay $0x1  }
0x92: {  	v41 =	vfloor.f32 v51;
	v43 =	vfloor.f32 v53  }
0x93: {  	v41 =	vadd.f32 v41, v41;
	v43 =	vadd.f32 v43, v43;
	_ =	sdelay $0x1  }
0x94: {  	v40 =	vsub.f32 v50, v41;
	v54 =	vsub.f32 v52, v43;
	_ =	sdelay $0x1  }
0x95: {  	vm12 =	veq.f32 v40, $2.000000000e+00;
	vm13 =	veq.f32 v54, $2.000000000e+00  }
0x96: {  	v39 =	vand.u32 $0x80000000, v39;
	v40 =	vsel vm12, $0x0, v40;
	v41 =	vsel vm13, $0x0, v54  }
0x97: {  	v38 =	vand.u32 $0x80000000, v38;
	v40 =	vand.u32 $0x7FFFFFFF, v40;
	v41 =	vand.u32 $0x7FFFFFFF, v41  }
0x98: {  	v39 =	vor.u32 v39, v40;
	v38 =	vor.u32 v38, v41  }
0x99: {  	v40 =	vadd.f32 $2.000000000e+00, v39;
	v41 =	vadd.f32 $2.000000000e+00, v38  }
0x9a: {  	vm14 =	vlt.f32 v39, $0.0e+00;
	vm15 =	vlt.f32 v38, $0.0e+00  }
0x9b: {  	v39 =	vsel vm14, v40, v39;
	v38 =	vsel vm15, v41, v38  }
0x9c: {  	v39 =	vadd.f32 $-1.000000000e+00, v39;
	v38 =	vadd.f32 $-1.000000000e+00, v38;
	_ =	sdelay $0x1  }
0x9d: {  	v39 =	vmul.f32 v39, v39;
	v38 =	vmul.f32 v38, v38;
	_ =	sdelay $0x1  }
0x9e: {  	v38 =	vadd.f32 v38, v39;
	_ =	sdelay $0x1  }
0x9f: {  	v39 =	vshra.s32 v38, $0x1  }
0xa0: {  	v39 =	vadd.s32 $0x1FBD1DF5, v39  }
0xa1: {  	(erf) = vrcp.f32 v39;
	_ =	sdelay $0x8  }
0xa2: {  	v55 =	vpop (erf)  }
0xa3: {  	v40 =	vmul.f32 v55, v38;
	_ =	sdelay $0x1  }
0xa4: {  	v39 =	vadd.f32 v39, v40;
	_ =	sdelay $0x1  }
0xa5: {  	v39 =	vmul.f32 $5.000000000e-01, v39;
	_ =	sdelay $0x1  }
0xa6: {  	(erf) = vrcp.f32 v39;
	_ =	sdelay $0x8  }
0xa7: {  	v56 =	vpop (erf)  }
0xa8: {  	v40 =	vmul.f32 v56, v38;
	_ =	sdelay $0x1  }
0xa9: {  	v39 =	vadd.f32 v40, v39;
	_ =	sdelay $0x1  }
0xaa: {  	v39 =	vmul.f32 $5.000000000e-01, v39;
	_ =	sdelay $0x1  }
0xab: {  	(erf) = vrcp.f32 v39;
	_ =	sdelay $0x8  }
0xac: {  	v57 =	vpop (erf)  }
0xad: {  	v38 =	vmul.f32 v57, v38;
	_ =	sdelay $0x1  }
0xae: {  	v38 =	vadd.f32 v38, v39;
	_ =	sdelay $0x1  }
0xaf: {  	v38 =	vmul.f32 $5.000000000e-01, v38;
	_ =	sdelay $0x1  }
0xb0: {  	v38 =	vmul.f32 $-2.000000000e+00, v38;
	_ =	sdelay $0x1  }
0xb1: {  	v38 =	vmul.f32 $1.442695020e+00, v38;
	_ =	sdelay $0x1  }
0xb2: {  	(erf) = vpow2.f32 v38;
	_ =	sdelay $0x3  }
0xb3: {  	v58 =	vld [tilespmem:s16+$0x780];
	_ =	sdelay $0x4  }
0xb4: {  	v59 =	vpop (erf)  }
0xb5: {  	v39 =	vnsel vm0, $0x0, v59  }
0xb6: {  	[tilespmem:s16+$0x1800] =	vst v39  }
0xb7: {  	v39 =	vld.idx.msk [tilespmem:v58+s3+$0x0], $0xffff  }
0xb8: {  	v38 =	vld.idx.msk [tilespmem:v58+s9+$0x0], $0xffff;
	_ =	sdelay $0x4  }
0xb9: {  	v39 =	vsub.f32 v20, v39;
	v38 =	vsub.f32 v21, v38;
	_ =	sdelay $0x1  }
0xba: {  	v39 =	vadd.f32 $1.000000000e+00, v39;
	v38 =	vadd.f32 $1.000000000e+00, v38;
	_ =	sdelay $0x1  }
0xbb: {  	v60 =	vand.u32 $0x7FFFFFFF, v39;
	v62 =	vand.u32 $0x7FFFFFFF, v38  }
0xbc: {  	v61 =	vmul.f32 v60, v12;
	v63 =	vmul.f32 v62, v12;
	_ =	sdelay $0x1  }
0xbd: {  	v41 =	vfloor.f32 v61;
	v43 =	vfloor.f32 v63  }
0xbe: {  	v41 =	vadd.f32 v41, v41;
	v43 =	vadd.f32 v43, v43;
	_ =	sdelay $0x1  }
0xbf: {  	v40 =	vsub.f32 v60, v41;
	v44 =	vsub.f32 v62, v43;
	_ =	sdelay $0x1  }
0xc0: {  	vm4 =	veq.f32 v40, $2.000000000e+00;
	vm5 =	veq.f32 v44, $2.000000000e+00  }
0xc1: {  	v39 =	vand.u32 $0x80000000, v39;
	v40 =	vsel vm4, $0x0, v40;
	v41 =	vsel vm5, $0x0, v44  }
0xc2: {  	v38 =	vand.u32 $0x80000000, v38;
	v40 =	vand.u32 $0x7FFFFFFF, v40;
	v41 =	vand.u32 $0x7FFFFFFF, v41  }
0xc3: {  	v39 =	vor.u32 v39, v40;
	v38 =	vor.u32 v38, v41  }
0xc4: {  	v40 =	vadd.f32 $2.000000000e+00, v39;
	v41 =	vadd.f32 $2.000000000e+00, v38  }
0xc5: {  	vm6 =	vlt.f32 v39, $0.0e+00;
	vm7 =	vlt.f32 v38, $0.0e+00  }
0xc6: {  	v39 =	vsel vm6, v40, v39;
	v38 =	vsel vm7, v41, v38  }
0xc7: {  	v39 =	vadd.f32 $-1.000000000e+00, v39;
	v38 =	vadd.f32 $-1.000000000e+00, v38;
	_ =	sdelay $0x1  }
0xc8: {  	v39 =	vmul.f32 v39, v39;
	v38 =	vmul.f32 v38, v38;
	_ =	sdelay $0x1  }
0xc9: {  	v38 =	vadd.f32 v38, v39;
	_ =	sdelay $0x1  }
0xca: {  	v39 =	vshra.s32 v38, $0x1  }
0xcb: {  	v39 =	vadd.s32 $0x1FBD1DF5, v39  }
0xcc: {  	(erf) = vrcp.f32 v39;
	_ =	sdelay $0x8  }
0xcd: {  	v45 =	vpop (erf)  }
0xce: {  	v40 =	vmul.f32 v45, v38;
	_ =	sdelay $0x1  }
0xcf: {  	v39 =	vadd.f32 v39, v40;
	_ =	sdelay $0x1  }
0xd0: {  	v39 =	vmul.f32 $5.000000000e-01, v39;
	_ =	sdelay $0x1  }
0xd1: {  	(erf) = vrcp.f32 v39;
	_ =	sdelay $0x8  }
0xd2: {  	v46 =	vpop (erf)  }
0xd3: {  	v40 =	vmul.f32 v46, v38;
	_ =	sdelay $0x1  }
0xd4: {  	v39 =	vadd.f32 v40, v39;
	_ =	sdelay $0x1  }
0xd5: {  	v39 =	vmul.f32 $5.000000000e-01, v39;
	_ =	sdelay $0x1  }
0xd6: {  	(erf) = vrcp.f32 v39;
	_ =	sdelay $0x8  }
0xd7: {  	v47 =	vpop (erf)  }
0xd8: {  	v38 =	vmul.f32 v47, v38;
	_ =	sdelay $0x1  }
0xd9: {  	v38 =	vadd.f32 v38, v39;
	_ =	sdelay $0x1  }
0xda: {  	v38 =	vmul.f32 $5.000000000e-01, v38;
	_ =	sdelay $0x1  }
0xdb: {  	v38 =	vmul.f32 $-2.000000000e+00, v38;
	_ =	sdelay $0x1  }
0xdc: {  	v38 =	vmul.f32 $1.442695020e+00, v38;
	_ =	sdelay $0x1  }
0xdd: {  	(erf) = vpow2.f32 v38;
	_ =	sdelay $0x8  }
0xde: {  	v38 =	vpop (erf)  }
0xdf: {  	v38 =	vnsel vm0, $0x0, v38  }
0xe0: {  	[tilespmem:s16+$0x1980] =	vst v38  }
0xe1: {  	v38 =	vld [tilespmem:s13+$0x0];
	_ =	sdelay $0x7  }
0xe2: {  	v48 =	vld.idx.msk [tilespmem:v38+s3+$0x0], $0xffff  }
0xe3: {  	v38 =	vld.idx.msk [tilespmem:v38+s9+$0x0], $0xffff;
	_ =	sdelay $0x4  }
0xe4: {  	v39 =	vsub.f32 v22, v48;
	v38 =	vsub.f32 v23, v38;
	_ =	sdelay $0x1  }
0xe5: {  	v39 =	vadd.f32 $1.000000000e+00, v39;
	v38 =	vadd.f32 $1.000000000e+00, v38;
	_ =	sdelay $0x1  }
0xe6: {  	v49 =	vand.u32 $0x7FFFFFFF, v39;
	v51 =	vand.u32 $0x7FFFFFFF, v38  }
0xe7: {  	v50 =	vmul.f32 v49, v12;
	v52 =	vmul.f32 v51, v12;
	_ =	sdelay $0x1  }
0xe8: {  	v41 =	vfloor.f32 v50;
	v43 =	vfloor.f32 v52  }
0xe9: {  	v41 =	vadd.f32 v41, v41;
	v43 =	vadd.f32 v43, v43;
	_ =	sdelay $0x1  }
0xea: {  	v40 =	vsub.f32 v49, v41;
	v53 =	vsub.f32 v51, v43;
	_ =	sdelay $0x1  }
0xeb: {  	vm8 =	veq.f32 v40, $2.000000000e+00;
	vm9 =	veq.f32 v53, $2.000000000e+00  }
0xec: {  	v39 =	vand.u32 $0x80000000, v39;
	v40 =	vsel vm8, $0x0, v40;
	v41 =	vsel vm9, $0x0, v53  }
0xed: {  	v38 =	vand.u32 $0x80000000, v38;
	v40 =	vand.u32 $0x7FFFFFFF, v40;
	v41 =	vand.u32 $0x7FFFFFFF, v41  }
0xee: {  	v39 =	vor.u32 v39, v40;
	v38 =	vor.u32 v38, v41  }
0xef: {  	v40 =	vadd.f32 $2.000000000e+00, v39;
	v41 =	vadd.f32 $2.000000000e+00, v38  }
0xf0: {  	vm10 =	vlt.f32 v39, $0.0e+00;
	vm11 =	vlt.f32 v38, $0.0e+00  }
0xf1: {  	v39 =	vsel vm10, v40, v39;
	v38 =	vsel vm11, v41, v38  }
0xf2: {  	v39 =	vadd.f32 $-1.000000000e+00, v39;
	v38 =	vadd.f32 $-1.000000000e+00, v38;
	_ =	sdelay $0x1  }
0xf3: {  	v39 =	vmul.f32 v39, v39;
	v38 =	vmul.f32 v38, v38;
	_ =	sdelay $0x1  }
0xf4: {  	v38 =	vadd.f32 v38, v39;
	_ =	sdelay $0x1  }
0xf5: {  	v39 =	vshra.s32 v38, $0x1  }
0xf6: {  	v39 =	vadd.s32 $0x1FBD1DF5, v39  }
0xf7: {  	(erf) = vrcp.f32 v39;
	_ =	sdelay $0x8  }
0xf8: {  	v54 =	vpop (erf)  }
0xf9: {  	v40 =	vmul.f32 v54, v38;
	_ =	sdelay $0x1  }
0xfa: {  	v39 =	vadd.f32 v39, v40;
	_ =	sdelay $0x1  }
0xfb: {  	v39 =	vmul.f32 $5.000000000e-01, v39;
	_ =	sdelay $0x1  }
0xfc: {  	(erf) = vrcp.f32 v39;
	_ =	sdelay $0x8  }
0xfd: {  	v55 =	vpop (erf)  }
0xfe: {  	v40 =	vmul.f32 v55, v38;
	_ =	sdelay $0x1  }
0xff: {  	v39 =	vadd.f32 v40, v39;
	_ =	sdelay $0x1  }
0x100: {  	v39 =	vmul.f32 $5.000000000e-01, v39;
	_ =	sdelay $0x1  }
0x101: {  	(erf) = vrcp.f32 v39;
	_ =	sdelay $0x8  }
0x102: {  	v56 =	vpop (erf)  }
0x103: {  	v38 =	vmul.f32 v56, v38;
	_ =	sdelay $0x1  }
0x104: {  	v38 =	vadd.f32 v38, v39;
	_ =	sdelay $0x1  }
0x105: {  	v38 =	vmul.f32 $5.000000000e-01, v38;
	_ =	sdelay $0x1  }
0x106: {  	v38 =	vmul.f32 $-2.000000000e+00, v38;
	_ =	sdelay $0x1  }
0x107: {  	v38 =	vmul.f32 $1.442695020e+00, v38;
	_ =	sdelay $0x1  }
0x108: {  	(erf) = vpow2.f32 v38;
	_ =	sdelay $0x8  }
0x109: {  	v38 =	vpop (erf)  }
0x10a: {  	v38 =	vnsel vm0, $0x0, v38  }
0x10b: {  	[tilespmem:s14+$0x0] =	vst v38  }
0x10c: {  	v38 =	vld [tilespmem:s16+$0xA80];
	_ =	sdelay $0x7  }
0x10d: {  	v57 =	vld.idx.msk [tilespmem:v38+s3+$0x0], $0xffff  }
0x10e: {  	v38 =	vld.idx.msk [tilespmem:v38+s9+$0x0], $0xffff;
	_ =	sdelay $0x4  }
0x10f: {  	v39 =	vsub.f32 v24, v57;
	v38 =	vsub.f32 v25, v38;
	_ =	sdelay $0x1  }
0x110: {  	v39 =	vadd.f32 $1.000000000e+00, v39;
	v38 =	vadd.f32 $1.000000000e+00, v38;
	_ =	sdelay $0x1  }
0x111: {  	v58 =	vand.u32 $0x7FFFFFFF, v39;
	v60 =	vand.u32 $0x7FFFFFFF, v38  }
0x112: {  	v59 =	vmul.f32 v58, v12;
	v61 =	vmul.f32 v60, v12;
	_ =	sdelay $0x1  }
0x113: {  	v41 =	vfloor.f32 v59;
	v43 =	vfloor.f32 v61  }
0x114: {  	v41 =	vadd.f32 v41, v41;
	v43 =	vadd.f32 v43, v43;
	_ =	sdelay $0x1  }
0x115: {  	v40 =	vsub.f32 v58, v41;
	v62 =	vsub.f32 v60, v43;
	_ =	sdelay $0x1  }
0x116: {  	vm12 =	veq.f32 v40, $2.000000000e+00;
	vm13 =	veq.f32 v62, $2.000000000e+00  }
0x117: {  	v39 =	vand.u32 $0x80000000, v39;
	v40 =	vsel vm12, $0x0, v40;
	v41 =	vsel vm13, $0x0, v62  }
0x118: {  	v38 =	vand.u32 $0x80000000, v38;
	v40 =	vand.u32 $0x7FFFFFFF, v40;
	v41 =	vand.u32 $0x7FFFFFFF, v41  }
0x119: {  	v39 =	vor.u32 v39, v40;
	v38 =	vor.u32 v38, v41  }
0x11a: {  	v40 =	vadd.f32 $2.000000000e+00, v39;
	v41 =	vadd.f32 $2.000000000e+00, v38  }
0x11b: {  	vm14 =	vlt.f32 v39, $0.0e+00;
	vm15 =	vlt.f32 v38, $0.0e+00  }
0x11c: {  	v39 =	vsel vm14, v40, v39;
	v38 =	vsel vm15, v41, v38  }
0x11d: {  	v39 =	vadd.f32 $-1.000000000e+00, v39;
	v38 =	vadd.f32 $-1.000000000e+00, v38;
	_ =	sdelay $0x1  }
0x11e: {  	v39 =	vmul.f32 v39, v39;
	v38 =	vmul.f32 v38, v38;
	_ =	sdelay $0x1  }
0x11f: {  	v38 =	vadd.f32 v38, v39;
	_ =	sdelay $0x1  }
0x120: {  	v39 =	vshra.s32 v38, $0x1  }
0x121: {  	v39 =	vadd.s32 $0x1FBD1DF5, v39  }
0x122: {  	(erf) = vrcp.f32 v39;
	_ =	sdelay $0x8  }
0x123: {  	v63 =	vpop (erf)  }
0x124: {  	v40 =	vmul.f32 v63, v38;
	_ =	sdelay $0x1  }
0x125: {  	v39 =	vadd.f32 v39, v40;
	_ =	sdelay $0x1  }
0x126: {  	v39 =	vmul.f32 $5.000000000e-01, v39;
	_ =	sdelay $0x1  }
0x127: {  	(erf) = vrcp.f32 v39;
	_ =	sdelay $0x8  }
0x128: {  	v44 =	vpop (erf)  }
0x129: {  	v40 =	vmul.f32 v44, v38;
	_ =	sdelay $0x1  }
0x12a: {  	v39 =	vadd.f32 v40, v39;
	_ =	sdelay $0x1  }
0x12b: {  	v39 =	vmul.f32 $5.000000000e-01, v39;
	_ =	sdelay $0x1  }
0x12c: {  	(erf) = vrcp.f32 v39;
	_ =	sdelay $0x8  }
0x12d: {  	v45 =	vpop (erf)  }
0x12e: {  	v38 =	vmul.f32 v45, v38;
	_ =	sdelay $0x1  }
0x12f: {  	v38 =	vadd.f32 v38, v39;
	_ =	sdelay $0x1  }
0x130: {  	v38 =	vmul.f32 $5.000000000e-01, v38;
	_ =	sdelay $0x1  }
0x131: {  	v38 =	vmul.f32 $-2.000000000e+00, v38;
	_ =	sdelay $0x1  }
0x132: {  	v38 =	vmul.f32 $1.442695020e+00, v38;
	_ =	sdelay $0x1  }
0x133: {  	(erf) = vpow2.f32 v38;
	_ =	sdelay $0x3  }
0x134: {  	v46 =	vld [tilespmem:s16+$0xC00];
	_ =	sdelay $0x4  }
0x135: {  	v47 =	vpop (erf)  }
0x136: {  	v39 =	vnsel vm0, $0x0, v47  }
0x137: {  	[tilespmem:s16+$0x1C80] =	vst v39  }
0x138: {  	v39 =	vld.idx.msk [tilespmem:v46+s3+$0x0], $0xffff  }
0x139: {  	v38 =	vld.idx.msk [tilespmem:v46+s9+$0x0], $0xffff;
	_ =	sdelay $0x4  }
0x13a: {  	v39 =	vsub.f32 v26, v39;
	v38 =	vsub.f32 v27, v38;
	_ =	sdelay $0x1  }
0x13b: {  	v39 =	vadd.f32 $1.000000000e+00, v39;
	v38 =	vadd.f32 $1.000000000e+00, v38;
	_ =	sdelay $0x1  }
0x13c: {  	v48 =	vand.u32 $0x7FFFFFFF, v39;
	v50 =	vand.u32 $0x7FFFFFFF, v38  }
0x13d: {  	v49 =	vmul.f32 v48, v12;
	v51 =	vmul.f32 v50, v12;
	_ =	sdelay $0x1  }
0x13e: {  	v41 =	vfloor.f32 v49;
	v43 =	vfloor.f32 v51  }
0x13f: {  	v41 =	vadd.f32 v41, v41;
	v43 =	vadd.f32 v43, v43;
	_ =	sdelay $0x1  }
0x140: {  	v40 =	vsub.f32 v48, v41;
	v52 =	vsub.f32 v50, v43;
	_ =	sdelay $0x1  }
0x141: {  	vm4 =	veq.f32 v40, $2.000000000e+00;
	vm5 =	veq.f32 v52, $2.000000000e+00  }
0x142: {  	v39 =	vand.u32 $0x80000000, v39;
	v40 =	vsel vm4, $0x0, v40;
	v41 =	vsel vm5, $0x0, v52  }
0x143: {  	v38 =	vand.u32 $0x80000000, v38;
	v40 =	vand.u32 $0x7FFFFFFF, v40;
	v41 =	vand.u32 $0x7FFFFFFF, v41  }
0x144: {  	v39 =	vor.u32 v39, v40;
	v38 =	vor.u32 v38, v41  }
0x145: {  	v40 =	vadd.f32 $2.000000000e+00, v39;
	v41 =	vadd.f32 $2.000000000e+00, v38  }
0x146: {  	vm6 =	vlt.f32 v39, $0.0e+00;
	vm7 =	vlt.f32 v38, $0.0e+00  }
0x147: {  	v39 =	vsel vm6, v40, v39;
	v38 =	vsel vm7, v41, v38  }
0x148: {  	v39 =	vadd.f32 $-1.000000000e+00, v39;
	v38 =	vadd.f32 $-1.000000000e+00, v38;
	_ =	sdelay $0x1  }
0x149: {  	v39 =	vmul.f32 v39, v39;
	v38 =	vmul.f32 v38, v38;
	_ =	sdelay $0x1  }
0x14a: {  	v38 =	vadd.f32 v38, v39;
	_ =	sdelay $0x1  }
0x14b: {  	v39 =	vshra.s32 v38, $0x1  }
0x14c: {  	v39 =	vadd.s32 $0x1FBD1DF5, v39  }
0x14d: {  	(erf) = vrcp.f32 v39;
	_ =	sdelay $0x8  }
0x14e: {  	v53 =	vpop (erf)  }
0x14f: {  	v40 =	vmul.f32 v53, v38;
	_ =	sdelay $0x1  }
0x150: {  	v39 =	vadd.f32 v39, v40;
	_ =	sdelay $0x1  }
0x151: {  	v39 =	vmul.f32 $5.000000000e-01, v39;
	_ =	sdelay $0x1  }
0x152: {  	(erf) = vrcp.f32 v39;
	_ =	sdelay $0x8  }
0x153: {  	v54 =	vpop (erf)  }
0x154: {  	v40 =	vmul.f32 v54, v38;
	_ =	sdelay $0x1  }
0x155: {  	v39 =	vadd.f32 v40, v39;
	_ =	sdelay $0x1  }
0x156: {  	v39 =	vmul.f32 $5.000000000e-01, v39;
	_ =	sdelay $0x1  }
0x157: {  	(erf) = vrcp.f32 v39;
	_ =	sdelay $0x8  }
0x158: {  	v55 =	vpop (erf)  }
0x159: {  	v38 =	vmul.f32 v55, v38;
	_ =	sdelay $0x1  }
0x15a: {  	v38 =	vadd.f32 v38, v39;
	_ =	sdelay $0x1  }
0x15b: {  	v38 =	vmul.f32 $5.000000000e-01, v38;
	_ =	sdelay $0x1  }
0x15c: {  	v38 =	vmul.f32 $-2.000000000e+00, v38;
	_ =	sdelay $0x1  }
0x15d: {  	v38 =	vmul.f32 $1.442695020e+00, v38;
	_ =	sdelay $0x1  }
0x15e: {  	(erf) = vpow2.f32 v38;
	_ =	sdelay $0x3  }
0x15f: {  	v56 =	vld [tilespmem:s16+$0xD80];
	_ =	sdelay $0x4  }
0x160: {  	v57 =	vpop (erf)  }
0x161: {  	v39 =	vnsel vm0, $0x0, v57  }
0x162: {  	[tilespmem:s16+$0x1E00] =	vst v39  }
0x163: {  	v39 =	vld.idx.msk [tilespmem:v56+s3+$0x0], $0xffff  }
0x164: {  	v38 =	vld.idx.msk [tilespmem:v56+s9+$0x0], $0xffff;
	_ =	sdelay $0x4  }
0x165: {  	v39 =	vsub.f32 v28, v39;
	v38 =	vsub.f32 v29, v38;
	_ =	sdelay $0x1  }
0x166: {  	v39 =	vadd.f32 $1.000000000e+00, v39;
	v38 =	vadd.f32 $1.000000000e+00, v38;
	_ =	sdelay $0x1  }
0x167: {  	v58 =	vand.u32 $0x7FFFFFFF, v39;
	v60 =	vand.u32 $0x7FFFFFFF, v38  }
0x168: {  	v59 =	vmul.f32 v58, v12;
	v61 =	vmul.f32 v60, v12;
	_ =	sdelay $0x1  }
0x169: {  	v41 =	vfloor.f32 v59;
	v43 =	vfloor.f32 v61  }
0x16a: {  	v41 =	vadd.f32 v41, v41;
	v43 =	vadd.f32 v43, v43;
	_ =	sdelay $0x1  }
0x16b: {  	v40 =	vsub.f32 v58, v41;
	v62 =	vsub.f32 v60, v43;
	_ =	sdelay $0x1  }
0x16c: {  	vm8 =	veq.f32 v40, $2.000000000e+00;
	vm9 =	veq.f32 v62, $2.000000000e+00  }
0x16d: {  	v39 =	vand.u32 $0x80000000, v39;
	v40 =	vsel vm8, $0x0, v40;
	v41 =	vsel vm9, $0x0, v62  }
0x16e: {  	v38 =	vand.u32 $0x80000000, v38;
	v40 =	vand.u32 $0x7FFFFFFF, v40;
	v41 =	vand.u32 $0x7FFFFFFF, v41  }
0x16f: {  	v39 =	vor.u32 v39, v40;
	v38 =	vor.u32 v38, v41  }
0x170: {  	v40 =	vadd.f32 $2.000000000e+00, v39;
	v41 =	vadd.f32 $2.000000000e+00, v38  }
0x171: {  	vm10 =	vlt.f32 v39, $0.0e+00;
	vm11 =	vlt.f32 v38, $0.0e+00  }
0x172: {  	v39 =	vsel vm10, v40, v39;
	v38 =	vsel vm11, v41, v38  }
0x173: {  	v39 =	vadd.f32 $-1.000000000e+00, v39;
	v38 =	vadd.f32 $-1.000000000e+00, v38;
	_ =	sdelay $0x1  }
0x174: {  	v39 =	vmul.f32 v39, v39;
	v38 =	vmul.f32 v38, v38;
	_ =	sdelay $0x1  }
0x175: {  	v38 =	vadd.f32 v38, v39;
	_ =	sdelay $0x1  }
0x176: {  	v39 =	vshra.s32 v38, $0x1  }
0x177: {  	v39 =	vadd.s32 $0x1FBD1DF5, v39  }
0x178: {  	(erf) = vrcp.f32 v39;
	_ =	sdelay $0x8  }
0x179: {  	v63 =	vpop (erf)  }
0x17a: {  	v40 =	vmul.f32 v63, v38;
	_ =	sdelay $0x1  }
0x17b: {  	v39 =	vadd.f32 v39, v40;
	_ =	sdelay $0x1  }
0x17c: {  	v39 =	vmul.f32 $5.000000000e-01, v39;
	_ =	sdelay $0x1  }
0x17d: {  	(erf) = vrcp.f32 v39;
	_ =	sdelay $0x8  }
0x17e: {  	v44 =	vpop (erf)  }
0x17f: {  	v40 =	vmul.f32 v44, v38;
	_ =	sdelay $0x1  }
0x180: {  	v39 =	vadd.f32 v40, v39;
	_ =	sdelay $0x1  }
0x181: {  	v39 =	vmul.f32 $5.000000000e-01, v39;
	_ =	sdelay $0x1  }
0x182: {  	(erf) = vrcp.f32 v39;
	_ =	sdelay $0x8  }
0x183: {  	v45 =	vpop (erf)  }
0x184: {  	v38 =	vmul.f32 v45, v38;
	_ =	sdelay $0x1  }
0x185: {  	v38 =	vadd.f32 v38, v39;
	_ =	sdelay $0x1  }
0x186: {  	v38 =	vmul.f32 $5.000000000e-01, v38;
	_ =	sdelay $0x1  }
0x187: {  	v38 =	vmul.f32 $-2.000000000e+00, v38;
	_ =	sdelay $0x1  }
0x188: {  	v38 =	vmul.f32 $1.442695020e+00, v38;
	_ =	sdelay $0x1  }
0x189: {  	(erf) = vpow2.f32 v38;
	_ =	sdelay $0x8  }
0x18a: {  	v38 =	vpop (erf)  }
0x18b: {  	v38 =	vnsel vm0, $0x0, v38  }
0x18c: {  	[tilespmem:s16+$0x1F80] =	vst v38  }
0x18d: {  	v38 =	vld [tilespmem:s13+$0x600];
	_ =	sdelay $0x7  }
0x18e: {  	v46 =	vld.idx.msk [tilespmem:v38+s3+$0x0], $0xffff  }
0x18f: {  	v38 =	vld.idx.msk [tilespmem:v38+s9+$0x0], $0xffff;
	_ =	sdelay $0x4  }
0x190: {  	v39 =	vsub.f32 v30, v46;
	v38 =	vsub.f32 v31, v38;
	_ =	sdelay $0x1  }
0x191: {  	v39 =	vadd.f32 $1.000000000e+00, v39;
	v38 =	vadd.f32 $1.000000000e+00, v38;
	_ =	sdelay $0x1  }
0x192: {  	v47 =	vand.u32 $0x7FFFFFFF, v39;
	v49 =	vand.u32 $0x7FFFFFFF, v38  }
0x193: {  	v48 =	vmul.f32 v47, v12;
	v50 =	vmul.f32 v49, v12;
	_ =	sdelay $0x1  }
0x194: {  	v41 =	vfloor.f32 v48;
	v43 =	vfloor.f32 v50  }
0x195: {  	v41 =	vadd.f32 v41, v41;
	v43 =	vadd.f32 v43, v43;
	_ =	sdelay $0x1  }
0x196: {  	v40 =	vsub.f32 v47, v41;
	v51 =	vsub.f32 v49, v43;
	_ =	sdelay $0x1  }
0x197: {  	vm12 =	veq.f32 v40, $2.000000000e+00;
	vm13 =	veq.f32 v51, $2.000000000e+00  }
0x198: {  	v39 =	vand.u32 $0x80000000, v39;
	v40 =	vsel vm12, $0x0, v40;
	v41 =	vsel vm13, $0x0, v51  }
0x199: {  	v38 =	vand.u32 $0x80000000, v38;
	v40 =	vand.u32 $0x7FFFFFFF, v40;
	v41 =	vand.u32 $0x7FFFFFFF, v41  }
0x19a: {  	v39 =	vor.u32 v39, v40;
	v38 =	vor.u32 v38, v41  }
0x19b: {  	v40 =	vadd.f32 $2.000000000e+00, v39;
	v41 =	vadd.f32 $2.000000000e+00, v38  }
0x19c: {  	vm14 =	vlt.f32 v39, $0.0e+00;
	vm15 =	vlt.f32 v38, $0.0e+00  }
0x19d: {  	v39 =	vsel vm14, v40, v39;
	v38 =	vsel vm15, v41, v38  }
0x19e: {  	v39 =	vadd.f32 $-1.000000000e+00, v39;
	v38 =	vadd.f32 $-1.000000000e+00, v38;
	_ =	sdelay $0x1  }
0x19f: {  	v39 =	vmul.f32 v39, v39;
	v38 =	vmul.f32 v38, v38;
	_ =	sdelay $0x1  }
0x1a0: {  	v38 =	vadd.f32 v38, v39;
	_ =	sdelay $0x1  }
0x1a1: {  	v39 =	vshra.s32 v38, $0x1  }
0x1a2: {  	v39 =	vadd.s32 $0x1FBD1DF5, v39  }
0x1a3: {  	(erf) = vrcp.f32 v39;
	_ =	sdelay $0x8  }
0x1a4: {  	v52 =	vpop (erf)  }
0x1a5: {  	v40 =	vmul.f32 v52, v38;
	_ =	sdelay $0x1  }
0x1a6: {  	v39 =	vadd.f32 v39, v40;
	_ =	sdelay $0x1  }
0x1a7: {  	v39 =	vmul.f32 $5.000000000e-01, v39;
	_ =	sdelay $0x1  }
0x1a8: {  	(erf) = vrcp.f32 v39;
	_ =	sdelay $0x8  }
0x1a9: {  	v53 =	vpop (erf)  }
0x1aa: {  	v40 =	vmul.f32 v53, v38;
	_ =	sdelay $0x1  }
0x1ab: {  	v39 =	vadd.f32 v40, v39;
	_ =	sdelay $0x1  }
0x1ac: {  	v39 =	vmul.f32 $5.000000000e-01, v39;
	_ =	sdelay $0x1  }
0x1ad: {  	(erf) = vrcp.f32 v39;
	_ =	sdelay $0x8  }
0x1ae: {  	v54 =	vpop (erf)  }
0x1af: {  	v38 =	vmul.f32 v54, v38;
	_ =	sdelay $0x1  }
0x1b0: {  	v38 =	vadd.f32 v38, v39;
	_ =	sdelay $0x1  }
0x1b1: {  	v38 =	vmul.f32 $5.000000000e-01, v38;
	_ =	sdelay $0x1  }
0x1b2: {  	v38 =	vmul.f32 $-2.000000000e+00, v38;
	_ =	sdelay $0x1  }
0x1b3: {  	v38 =	vmul.f32 $1.442695020e+00, v38;
	_ =	sdelay $0x1  }
0x1b4: {  	(erf) = vpow2.f32 v38;
	_ =	sdelay $0x8  }
0x1b5: {  	v38 =	vpop (erf)  }
0x1b6: {  	v38 =	vnsel vm0, $0x0, v38  }
0x1b7: {  	[tilespmem:s14+$0x600] =	vst v38  }
0x1b8: {  	v38 =	vld [tilespmem:s16+$0x1080];
	_ =	sdelay $0x7  }
0x1b9: {  	v55 =	vld.idx.msk [tilespmem:v38+s3+$0x0], $0xffff  }
0x1ba: {  	v38 =	vld.idx.msk [tilespmem:v38+s9+$0x0], $0xffff;
	_ =	sdelay $0x4  }
0x1bb: {  	v39 =	vsub.f32 v32, v55;
	v38 =	vsub.f32 v33, v38;
	_ =	sdelay $0x1  }
0x1bc: {  	v39 =	vadd.f32 $1.000000000e+00, v39;
	v38 =	vadd.f32 $1.000000000e+00, v38;
	_ =	sdelay $0x1  }
0x1bd: {  	v56 =	vand.u32 $0x7FFFFFFF, v39;
	v58 =	vand.u32 $0x7FFFFFFF, v38  }
0x1be: {  	v57 =	vmul.f32 v56, v12;
	v59 =	vmul.f32 v58, v12;
	_ =	sdelay $0x1  }
0x1bf: {  	v41 =	vfloor.f32 v57;
	v43 =	vfloor.f32 v59  }
0x1c0: {  	v41 =	vadd.f32 v41, v41;
	v43 =	vadd.f32 v43, v43;
	_ =	sdelay $0x1  }
0x1c1: {  	v40 =	vsub.f32 v56, v41;
	v60 =	vsub.f32 v58, v43;
	_ =	sdelay $0x1  }
0x1c2: {  	vm4 =	veq.f32 v40, $2.000000000e+00;
	vm5 =	veq.f32 v60, $2.000000000e+00  }
0x1c3: {  	v39 =	vand.u32 $0x80000000, v39;
	v40 =	vsel vm4, $0x0, v40;
	v41 =	vsel vm5, $0x0, v60  }
0x1c4: {  	v38 =	vand.u32 $0x80000000, v38;
	v40 =	vand.u32 $0x7FFFFFFF, v40;
	v41 =	vand.u32 $0x7FFFFFFF, v41  }
0x1c5: {  	v39 =	vor.u32 v39, v40;
	v38 =	vor.u32 v38, v41  }
0x1c6: {  	v40 =	vadd.f32 $2.000000000e+00, v39;
	v41 =	vadd.f32 $2.000000000e+00, v38  }
0x1c7: {  	vm6 =	vlt.f32 v39, $0.0e+00;
	vm7 =	vlt.f32 v38, $0.0e+00  }
0x1c8: {  	v39 =	vsel vm6, v40, v39;
	v38 =	vsel vm7, v41, v38  }
0x1c9: {  	v39 =	vadd.f32 $-1.000000000e+00, v39;
	v38 =	vadd.f32 $-1.000000000e+00, v38;
	_ =	sdelay $0x1  }
0x1ca: {  	v39 =	vmul.f32 v39, v39;
	v38 =	vmul.f32 v38, v38;
	_ =	sdelay $0x1  }
0x1cb: {  	v38 =	vadd.f32 v38, v39;
	_ =	sdelay $0x1  }
0x1cc: {  	v39 =	vshra.s32 v38, $0x1  }
0x1cd: {  	v39 =	vadd.s32 $0x1FBD1DF5, v39  }
0x1ce: {  	(erf) = vrcp.f32 v39;
	_ =	sdelay $0x8  }
0x1cf: {  	v61 =	vpop (erf)  }
0x1d0: {  	v40 =	vmul.f32 v61, v38;
	_ =	sdelay $0x1  }
0x1d1: {  	v39 =	vadd.f32 v39, v40;
	_ =	sdelay $0x1  }
0x1d2: {  	v39 =	vmul.f32 $5.000000000e-01, v39;
	_ =	sdelay $0x1  }
0x1d3: {  	(erf) = vrcp.f32 v39;
	_ =	sdelay $0x8  }
0x1d4: {  	v62 =	vpop (erf)  }
0x1d5: {  	v40 =	vmul.f32 v62, v38;
	_ =	sdelay $0x1  }
0x1d6: {  	v39 =	vadd.f32 v40, v39;
	_ =	sdelay $0x1  }
0x1d7: {  	v39 =	vmul.f32 $5.000000000e-01, v39;
	_ =	sdelay $0x1  }
0x1d8: {  	(erf) = vrcp.f32 v39;
	_ =	sdelay $0x8  }
0x1d9: {  	v63 =	vpop (erf)  }
0x1da: {  	v38 =	vmul.f32 v63, v38;
	_ =	sdelay $0x1  }
0x1db: {  	v38 =	vadd.f32 v38, v39;
	_ =	sdelay $0x1  }
0x1dc: {  	v38 =	vmul.f32 $5.000000000e-01, v38;
	_ =	sdelay $0x1  }
0x1dd: {  	v38 =	vmul.f32 $-2.000000000e+00, v38;
	_ =	sdelay $0x1  }
0x1de: {  	v38 =	vmul.f32 $1.442695020e+00, v38;
	_ =	sdelay $0x1  }
0x1df: {  	(erf) = vpow2.f32 v38;
	_ =	sdelay $0x3  }
0x1e0: {  	v44 =	vld [tilespmem:s16+$0x1200];
	_ =	sdelay $0x4  }
0x1e1: {  	v45 =	vpop (erf)  }
0x1e2: {  	v39 =	vnsel vm0, $0x0, v45  }
0x1e3: {  	[tilespmem:s16+$0x2280] =	vst v39  }
0x1e4: {  	v39 =	vld.idx.msk [tilespmem:v44+s3+$0x0], $0xffff  }
0x1e5: {  	v38 =	vld.idx.msk [tilespmem:v44+s9+$0x0], $0xffff;
	_ =	sdelay $0x4  }
0x1e6: {  	v39 =	vsub.f32 v34, v39;
	v38 =	vsub.f32 v35, v38;
	_ =	sdelay $0x1  }
0x1e7: {  	v39 =	vadd.f32 $1.000000000e+00, v39;
	v38 =	vadd.f32 $1.000000000e+00, v38;
	_ =	sdelay $0x1  }
0x1e8: {  	v46 =	vand.u32 $0x7FFFFFFF, v39;
	v48 =	vand.u32 $0x7FFFFFFF, v38  }
0x1e9: {  	v47 =	vmul.f32 v46, v12;
	v49 =	vmul.f32 v48, v12;
	_ =	sdelay $0x1  }
0x1ea: {  	v41 =	vfloor.f32 v47;
	v43 =	vfloor.f32 v49  }
0x1eb: {  	v41 =	vadd.f32 v41, v41;
	v43 =	vadd.f32 v43, v43;
	_ =	sdelay $0x1  }
0x1ec: {  	v40 =	vsub.f32 v46, v41;
	v50 =	vsub.f32 v48, v43;
	_ =	sdelay $0x1  }
0x1ed: {  	vm8 =	veq.f32 v40, $2.000000000e+00;
	vm9 =	veq.f32 v50, $2.000000000e+00  }
0x1ee: {  	v39 =	vand.u32 $0x80000000, v39;
	v40 =	vsel vm8, $0x0, v40;
	v41 =	vsel vm9, $0x0, v50  }
0x1ef: {  	v38 =	vand.u32 $0x80000000, v38;
	v40 =	vand.u32 $0x7FFFFFFF, v40;
	v41 =	vand.u32 $0x7FFFFFFF, v41  }
0x1f0: {  	v39 =	vor.u32 v39, v40;
	v38 =	vor.u32 v38, v41  }
0x1f1: {  	v40 =	vadd.f32 $2.000000000e+00, v39;
	v41 =	vadd.f32 $2.000000000e+00, v38  }
0x1f2: {  	vm10 =	vlt.f32 v39, $0.0e+00;
	vm11 =	vlt.f32 v38, $0.0e+00  }
0x1f3: {  	v39 =	vsel vm10, v40, v39;
	v38 =	vsel vm11, v41, v38  }
0x1f4: {  	v39 =	vadd.f32 $-1.000000000e+00, v39;
	v38 =	vadd.f32 $-1.000000000e+00, v38;
	_ =	sdelay $0x1  }
0x1f5: {  	v39 =	vmul.f32 v39, v39;
	v38 =	vmul.f32 v38, v38;
	_ =	sdelay $0x1  }
0x1f6: {  	v38 =	vadd.f32 v38, v39;
	_ =	sdelay $0x1  }
0x1f7: {  	v39 =	vshra.s32 v38, $0x1  }
0x1f8: {  	v39 =	vadd.s32 $0x1FBD1DF5, v39  }
0x1f9: {  	(erf) = vrcp.f32 v39;
	_ =	sdelay $0x8  }
0x1fa: {  	v51 =	vpop (erf)  }
0x1fb: {  	v40 =	vmul.f32 v51, v38;
	_ =	sdelay $0x1  }
0x1fc: {  	v39 =	vadd.f32 v39, v40;
	_ =	sdelay $0x1  }
0x1fd: {  	v39 =	vmul.f32 $5.000000000e-01, v39;
	_ =	sdelay $0x1  }
0x1fe: {  	(erf) = vrcp.f32 v39;
	_ =	sdelay $0x8  }
0x1ff: {  	v52 =	vpop (erf)  }
0x200: {  	v40 =	vmul.f32 v52, v38;
	_ =	sdelay $0x1  }
0x201: {  	v39 =	vadd.f32 v40, v39;
	_ =	sdelay $0x1  }
0x202: {  	v39 =	vmul.f32 $5.000000000e-01, v39;
	_ =	sdelay $0x1  }
0x203: {  	(erf) = vrcp.f32 v39;
	_ =	sdelay $0x8  }
0x204: {  	v53 =	vpop (erf)  }
0x205: {  	v38 =	vmul.f32 v53, v38;
	_ =	sdelay $0x1  }
0x206: {  	v38 =	vadd.f32 v38, v39;
	_ =	sdelay $0x1  }
0x207: {  	v38 =	vmul.f32 $5.000000000e-01, v38;
	_ =	sdelay $0x1  }
0x208: {  	v38 =	vmul.f32 $-2.000000000e+00, v38;
	_ =	sdelay $0x1  }
0x209: {  	v38 =	vmul.f32 $1.442695020e+00, v38;
	_ =	sdelay $0x1  }
0x20a: {  	(erf) = vpow2.f32 v38;
	_ =	sdelay $0x3  }
0x20b: {  	v54 =	vld [tilespmem:s16+$0x1380];
	_ =	sdelay $0x4  }
0x20c: {  	v55 =	vpop (erf)  }
0x20d: {  	v39 =	vnsel vm0, $0x0, v55  }
0x20e: {  	[tilespmem:s16+$0x2400] =	vst v39  }
0x20f: {  	v39 =	vld.idx.msk [tilespmem:v54+s3+$0x0], $0xffff  }
0x210: {  	v38 =	vld.idx.msk [tilespmem:v54+s9+$0x0], $0xffff;
	_ =	sdelay $0x4  }
0x211: {  	v39 =	vsub.f32 v36, v39;
	v38 =	vsub.f32 v37, v38;
	_ =	sdelay $0x1  }
0x212: {  	v39 =	vadd.f32 $1.000000000e+00, v39;
	v38 =	vadd.f32 $1.000000000e+00, v38;
	_ =	sdelay $0x1  }
0x213: {  	v56 =	vand.u32 $0x7FFFFFFF, v39;
	v58 =	vand.u32 $0x7FFFFFFF, v38  }
0x214: {  	v57 =	vmul.f32 v56, v12;
	v59 =	vmul.f32 v58, v12;
	_ =	sdelay $0x1  }
0x215: {  	v41 =	vfloor.f32 v57;
	v43 =	vfloor.f32 v59  }
0x216: {  	v41 =	vadd.f32 v41, v41;
	v43 =	vadd.f32 v43, v43;
	_ =	sdelay $0x1  }
0x217: {  	v40 =	vsub.f32 v56, v41;
	v60 =	vsub.f32 v58, v43;
	_ =	sdelay $0x1  }
0x218: {  	vm12 =	veq.f32 v40, $2.000000000e+00;
	vm13 =	veq.f32 v60, $2.000000000e+00  }
0x219: {  	v39 =	vand.u32 $0x80000000, v39;
	v40 =	vsel vm12, $0x0, v40;
	v41 =	vsel vm13, $0x0, v60  }
0x21a: {  	v38 =	vand.u32 $0x80000000, v38;
	v40 =	vand.u32 $0x7FFFFFFF, v40;
	v41 =	vand.u32 $0x7FFFFFFF, v41  }
0x21b: {  	v39 =	vor.u32 v39, v40;
	v38 =	vor.u32 v38, v41  }
0x21c: {  	v40 =	vadd.f32 $2.000000000e+00, v39;
	v41 =	vadd.f32 $2.000000000e+00, v38  }
0x21d: {  	vm14 =	vlt.f32 v39, $0.0e+00;
	vm15 =	vlt.f32 v38, $0.0e+00  }
0x21e: {  	v39 =	vsel vm14, v40, v39;
	v38 =	vsel vm15, v41, v38  }
0x21f: {  	v39 =	vadd.f32 $-1.000000000e+00, v39;
	v38 =	vadd.f32 $-1.000000000e+00, v38;
	_ =	sdelay $0x1  }
0x220: {  	v39 =	vmul.f32 v39, v39;
	v38 =	vmul.f32 v38, v38;
	_ =	sdelay $0x1  }
0x221: {  	v38 =	vadd.f32 v38, v39;
	_ =	sdelay $0x1  }
0x222: {  	v39 =	vshra.s32 v38, $0x1  }
0x223: {  	v39 =	vadd.s32 $0x1FBD1DF5, v39  }
0x224: {  	(erf) = vrcp.f32 v39;
	_ =	sdelay $0x8  }
0x225: {  	v61 =	vpop (erf)  }
0x226: {  	v40 =	vmul.f32 v61, v38;
	_ =	sdelay $0x1  }
0x227: {  	v39 =	vadd.f32 v39, v40;
	_ =	sdelay $0x1  }
0x228: {  	v39 =	vmul.f32 $5.000000000e-01, v39;
	_ =	sdelay $0x1  }
0x229: {  	(erf) = vrcp.f32 v39;
	_ =	sdelay $0x8  }
0x22a: {  	v62 =	vpop (erf)  }
0x22b: {  	v40 =	vmul.f32 v62, v38;
	_ =	sdelay $0x1  }
0x22c: {  	v39 =	vadd.f32 v40, v39;
	_ =	sdelay $0x1  }
0x22d: {  	v39 =	vmul.f32 $5.000000000e-01, v39;
	_ =	sdelay $0x1  }
0x22e: {  	(erf) = vrcp.f32 v39;
	_ =	sdelay $0x8  }
0x22f: {  	v63 =	vpop (erf)  }
0x230: {  	v38 =	vmul.f32 v63, v38;
	_ =	sdelay $0x1  }
0x231: {  	v38 =	vadd.f32 v38, v39;
	_ =	sdelay $0x1  }
0x232: {  	v38 =	vmul.f32 $5.000000000e-01, v38;
	_ =	sdelay $0x1  }
0x233: {  	v38 =	vmul.f32 $-2.000000000e+00, v38;
	_ =	sdelay $0x1  }
0x234: {  	v38 =	vmul.f32 $1.442695020e+00, v38;
	_ =	sdelay $0x1  }
0x235: {  	(erf) = vpow2.f32 v38;
	_ =	sdelay $0x5  }
0x236: {  	p0 =	sne.s32 s15, $0x170  }
.Ltmp0:
0x237: {  	_ = 	snop;
	(pc) =	sbr.rel @p0 .LBB2_2-.Ltmp0, $4  }
0x238: {  	_ = 	snop  }
0x239: {  	v38 =	vpop (erf)  }
0x23a: {  	v38 =	vnsel vm0, $0x0, v38  }
0x23b: {  	s15 =	sadd.s32 $0x10, s15;
	s13 =	sadd.s32 $0x10, s13;
	s14 =	sadd.s32 $0x10, s14;
	[tilespmem:s16+$0x2580] =	vst v38  }
0x23c: {  	s12 =	sadd.s32 $0x1, s12  }
0x23d: {  	p0 =	sne.s32 s12, s7  }
.Ltmp1:
0x23e: {  	_ = 	snop;
	(pc) =	sbr.rel @p0 .LBB2_1-.Ltmp1, $4  }
0x23f: {  	[hbm4b:s6+s3] =	stream.linear.scatter [tilespmem:s11], [sflag:$0x1], $0x1200, $0x38;
	[tilespmem:$0x2700] =	vst v63  }
0x240: {  	_ =	swait.ge [sflag:s8], $0x1200  }
0x241: {  	[sflag:s8] =	ssyncset.done $0x0  }
0x242: {  	[sflag:s8] =	ssyncadd.s32 $0xFFFFEE00  }
0x243: {  	_ =	sfence.sel $0x180000  }
0x244: {  	[bflag:$0x0] =	sbarrier.arrive $0xFFFF  }
0x245: {  	p0 =	sne.s32 s1, $0x0;
	_ =	strace $0x90000047  }
0x246: {  	s0 =	sadd.s32 @!p0 $0x100000, s0;
	[bflag:$0x2] =	sbarrier.arrive $0xFFFF  }
0x247: {  	[sflag:s0] =	ssyncadd.tile.s32 @!p0 $0x1;
	_ =	shalt  }
.Lfunc_end2:
_tile_overlayer_lowered:
.L_overlay_start_2:
0x248: {  	(tag) =	ssettag $0x2  }
0x249: {  	s0 =	rddreg [dreg:$0x0];
	s2 =	stileid.u32  }
0x24a: {  	s1 =	rddreg [dreg:$0x1];
	p0 =	sne.s32 s2, $0x0  }
0x24b: {  	s3 =	rddreg [dreg:$0x2];
	[bflag:$0x3] =	sbarrier.arrive $0xFFFF;
	s2 =	simm.s32 @!p0 $0x1C01  }
0x24c: {  	[timem:s3], [sflag:s2] =	dma.local @!p0 [hbm:s0], s1  }
0x24d: {  	s0 =	simm.s32 @!p0 $0x1  }
0x24e: {  	_ =	swait.ge @!p0 [sflag:s0], s1  }
0x24f: {  	s1 =	ssub.s32 @!p0 $0x0, s1;
	[sflag:s0] =	ssyncset.done @!p0 $0x0  }
0x250: {  	[sflag:s0] =	ssyncadd.s32 @!p0 s1  }
0x251: {  	[bflag:$0x3] =	sbarrier.arrive $0xFFFF  }
0x252: {  	_ =	shalt  }

</sc_bundles>
